<compile_context>
chip_gen: v7x
topology: tpu7x:2x2x1
jax: 0.10.2.dev20260603
libtpu: 0.0.44.dev20260713+nightly
codegen_flags: <defaults>
</compile_context>

<pallas_src>
import functools

import jax
import jax.numpy as jnp
from jax import lax
from jax.experimental import pallas as pl
from jax.experimental.pallas import tpu as pltpu
from jax.experimental.pallas import tpu_sc as plsc

N_NODES = 10000
D_FEAT = 128
N_EDGES = 320000
NC = 2
NS = 16
NW = NC * NS
EPW = N_EDGES // NW
CH = 80
NCHUNK = EPW // CH
RPT = N_NODES // NS
LANES = 16
NVG = EPW // LANES

_mesh = plsc.VectorSubcoreMesh(core_axis_name="c", subcore_axis_name="s")
_sc_params = pltpu.CompilerParams(needs_layout_passes=False,
                                  use_tc_tiling_on_sc=False)


@functools.partial(
    pl.kernel, mesh=_mesh,
    out_type=jax.ShapeDtypeStruct((NW, N_NODES), jnp.float32),
    scratch_types=[
        pltpu.VMEM((EPW,), jnp.int32),
        pltpu.VMEM((N_NODES,), jnp.float32),
    ],
    compiler_params=_sc_params,
)
def _hist_cnt(rows_hbm, out_hbm, rows_v, part_v):
    cid = lax.axis_index("c")
    sid = lax.axis_index("s")
    w = cid * NS + sid
    pltpu.sync_copy(rows_hbm.at[w], rows_v)

    def zero(i, c):
        part_v[pl.ds(i * LANES, LANES)] = jnp.zeros((LANES,), jnp.float32)
        return c
    lax.fori_loop(0, N_NODES // LANES, zero, 0)

    ones = jnp.full((LANES,), 1.0, jnp.float32)

    def body(i, c):
        rv = rows_v[pl.ds(i * LANES, LANES)]
        plsc.addupdate_scatter(part_v, [rv], ones)
        return c
    lax.fori_loop(0, NVG, body, 0)
    pltpu.sync_copy(part_v, out_hbm.at[w])


def _make_spmm(with_hist: bool, dtype=jnp.float32):
    out_type = [jax.ShapeDtypeStruct((NC, N_NODES, D_FEAT), dtype)]
    scratch = [
        pltpu.VMEM((NCHUNK, CH), jnp.int32),
        pltpu.VMEM((NCHUNK, CH), jnp.int32),
        pltpu.VMEM((CH, D_FEAT), dtype),
        pltpu.VMEM((CH, D_FEAT), dtype),
        pltpu.VMEM((NCHUNK, D_FEAT), dtype),
        pltpu.VMEM_SHARED((N_NODES, D_FEAT), dtype),
        pltpu.SemaphoreType.DMA,
        pltpu.SemaphoreType.DMA,
    ]
    if with_hist:
        out_type.append(jax.ShapeDtypeStruct((NW, N_NODES), jnp.float32))
        scratch += [
            pltpu.VMEM((N_NODES,), jnp.float32),
            pltpu.VMEM((N_NODES,), jnp.float32),
        ]

    @functools.partial(
        pl.kernel, mesh=_mesh,
        out_type=tuple(out_type) if with_hist else out_type[0],
        scratch_types=scratch,
        compiler_params=_sc_params,
    )
    def spmm(*args):
        if with_hist:
            (rows_hbm, cols_hbm, m_hbm, tab_hbm,
             out_hbm, hout_hbm,
             rows_v, cols_v, gbuf_a, gbuf_b, zbuf, acc, sem_a, sem_b,
             tab_v, part_v) = args
        else:
            (rows_hbm, cols_hbm, m_hbm,
             out_hbm,
             rows_v, cols_v, gbuf_a, gbuf_b, zbuf, acc, sem_a, sem_b) = args
        cid = lax.axis_index("c")
        sid = lax.axis_index("s")
        w = cid * NS + sid
        pltpu.sync_copy(rows_hbm.at[cid, sid], rows_v)
        pltpu.sync_copy(cols_hbm.at[cid, sid], cols_v)
        if with_hist:
            pltpu.sync_copy(tab_hbm, tab_v)

            def zero(i, c):
                part_v[pl.ds(i * LANES, LANES)] = jnp.zeros((LANES,), jnp.float32)
                return c
            lax.fori_loop(0, N_NODES // LANES, zero, 0)

        zn = 32 if dtype == jnp.bfloat16 else LANES
        zvec = jnp.zeros((zn,), dtype)
        zpr = D_FEAT // zn

        def zzero(i, c):
            zbuf[i // zpr, pl.ds((i % zpr) * zn, zn)] = zvec
            return c
        lax.fori_loop(0, NCHUNK * zpr, zzero, 0)
        for r in range(RPT // NCHUNK):
            pltpu.sync_copy(zbuf, acc.at[pl.ds(sid * RPT + r * NCHUNK, NCHUNK)])
        plsc.subcore_barrier()

        last = NCHUNK - 1
        gpc = CH // LANES

        def start(c, gbuf, sem):
            pltpu.async_copy(m_hbm.at[cols_v.at[c]], gbuf, sem)

        def step(c, nxt, gbuf, sem):
            pltpu.make_async_copy(m_hbm.at[cols_v.at[c]], gbuf, sem).wait()
            pltpu.sync_copy(gbuf, acc.at[rows_v.at[c]], add=True)
            pltpu.async_copy(m_hbm.at[cols_v.at[nxt]], gbuf, sem)
            if with_hist:
                hist_chunk(c)

        def hist_chunk(c):
            def hbody(j, cc):
                rv = rows_v[c, pl.ds(j * LANES, LANES)]
                cv = cols_v[c, pl.ds(j * LANES, LANES)]
                vv = plsc.load_gather(tab_v, [cv])
                plsc.addupdate_scatter(part_v, [rv], vv)
                return cc
            lax.fori_loop(0, gpc, hbody, 0)

        start(0, gbuf_a, sem_a)
        start(1, gbuf_b, sem_b)

        def body(k, carry):
            c0 = 2 * k
            c1 = 2 * k + 1
            step(c0, jnp.minimum(c0 + 2, last), gbuf_a, sem_a)
            step(c1, jnp.minimum(c1 + 2, last), gbuf_b, sem_b)
            return carry
        lax.fori_loop(0, (NCHUNK - 1) // 2, body, 0)

        pltpu.make_async_copy(m_hbm.at[cols_v.at[last]], gbuf_a, sem_a).wait()
        pltpu.sync_copy(gbuf_a, acc.at[rows_v.at[last]], add=True)
        if with_hist:
            hist_chunk(last)
        pltpu.make_async_copy(m_hbm.at[cols_v.at[last]], gbuf_b, sem_b).wait()

        if with_hist:
            pltpu.sync_copy(part_v, hout_hbm.at[w])

        plsc.subcore_barrier()
        pltpu.sync_copy(acc.at[pl.ds(sid * RPT, RPT)],
                        out_hbm.at[cid, pl.ds(sid * RPT, RPT)])

    return spmm


_spmm_plain = _make_spmm(False, jnp.bfloat16)
_spmm_hist = _make_spmm(True, jnp.bfloat16)


def _tc0_body(x_ref, w_ref, h_ref):
    h_ref[...] = jnp.dot(x_ref[...], w_ref[...],
                         preferred_element_type=jnp.float32,
                         precision=lax.Precision.HIGHEST)


def _tc0(X, W):
    return pl.pallas_call(
        _tc0_body,
        out_shape=jax.ShapeDtypeStruct((N_NODES, D_FEAT), jnp.float32),
    )(X, W)


def _tc1_body(h_ref, pc_ref, hh_ref, hhb_ref, dinv_ref, cnt_ref):
    cnt = jnp.sum(pc_ref[...], axis=0)
    dinv = lax.rsqrt(cnt + 1.0)
    hh = h_ref[...] * dinv[:, None]
    hh_ref[...] = hh
    hhb_ref[...] = hh.astype(jnp.bfloat16)
    dinv_ref[...] = dinv
    cnt_ref[...] = cnt


def _tc1(h, pc):
    return pl.pallas_call(
        _tc1_body,
        out_shape=[
            jax.ShapeDtypeStruct((N_NODES, D_FEAT), jnp.float32),
            jax.ShapeDtypeStruct((N_NODES, D_FEAT), jnp.bfloat16),
            jax.ShapeDtypeStruct((N_NODES,), jnp.float32),
            jax.ShapeDtypeStruct((N_NODES,), jnp.float32),
        ],
    )(h, pc)


def _tc2_body(tp_ref, hh_ref, dinv_ref, b_ref, xc_ref, xcb_ref, q_ref):
    t = (tp_ref[0].astype(jnp.float32) + tp_ref[1].astype(jnp.float32))
    xc = jnp.maximum(dinv_ref[...][:, None] * (t + hh_ref[...]) + b_ref[...][None, :], 0.0)
    xc_ref[...] = xc
    xcb_ref[...] = xc.astype(jnp.bfloat16)
    q_ref[...] = jnp.sum(xc * xc, axis=1)


def _tc2(tp, hh, dinv, b):
    return pl.pallas_call(
        _tc2_body,
        out_shape=[
            jax.ShapeDtypeStruct((N_NODES, D_FEAT), jnp.float32),
            jax.ShapeDtypeStruct((N_NODES, D_FEAT), jnp.bfloat16),
            jax.ShapeDtypeStruct((N_NODES,), jnp.float32),
        ],
    )(tp, hh, dinv, b)


def _tc3_body(sp_ref, xc_ref, q_ref, cnt_ref, qp_ref, out_ref):
    s = sp_ref[0].astype(jnp.float32) + sp_ref[1].astype(jnp.float32)
    qq = jnp.sum(qp_ref[...], axis=0)
    dots = jnp.sum(xc_ref[...] * s, axis=1)
    cnt = cnt_ref[...]
    sums = cnt * q_ref[...] - 2.0 * dots + qq
    out_ref[...] = jnp.tanh(sums / jnp.maximum(cnt, 1.0))


def _tc3(sp, xc, q, cnt, qp):
    return pl.pallas_call(
        _tc3_body,
        out_shape=jax.ShapeDtypeStruct((N_NODES,), jnp.float32),
    )(sp, xc, q, cnt, qp)


def kernel(X, edge_index, W, b):
    rows2 = edge_index[0].reshape(NW, EPW)
    rows4 = edge_index[0].reshape(NC, NS, NCHUNK, CH)
    cols4 = edge_index[1].reshape(NC, NS, NCHUNK, CH)

    pc = _hist_cnt(rows2)
    h = _tc0(X, W)
    hh, hhb, dinv, cnt = _tc1(h, pc)
    tp = _spmm_plain(rows4, cols4, hhb)
    xc, xcb, q = _tc2(tp, hh, dinv, b)
    sp, qp = _spmm_hist(rows4, cols4, xcb, q)
    return _tc3(sp, xc, q, cnt, qp)

# --- scband reference (transcript-rebuilt; emitter-appended) ---
"""Pipeline reference for scband-g2-51539607552123 (READ-ONLY COPY).

The authoritative reference and input builder live on the scoring server;
editing this copy changes nothing except your own understanding.
"""

import jax, jax.numpy as jnp
import numpy as np

N_NODES = 10000
N_EDGES = 320000
D_FEAT = 128
P = 2.0


def setup_inputs(seed: int = 0) -> dict:
    key = jax.random.key(seed)
    k1, k2, k3 = jax.random.split(key, 3)
    X = jax.random.normal(k1, (N_NODES, D_FEAT), dtype=jnp.float32)
    edge_index = jax.random.randint(k2, (2, N_EDGES), 0, N_NODES, dtype=jnp.int32)
    # GCNConv parameters (in_channels=out_channels=128)
    W = jax.random.normal(k3, (D_FEAT, D_FEAT), dtype=jnp.float32) * (1.0 / np.sqrt(D_FEAT))
    b = jnp.zeros((D_FEAT,), dtype=jnp.float32)
    return {"X": X, "edge_index": edge_index, "W": W, "b": b}


def _gcn_conv(X, edge_index, W, b):
    # Standard GCN layer: symmetric-normalized aggregation with self-loops.
    N = X.shape[0]
    loops = jnp.arange(N, dtype=edge_index.dtype)
    row = jnp.concatenate([edge_index[0], loops])
    col = jnp.concatenate([edge_index[1], loops])
    deg = jnp.zeros((N,), dtype=X.dtype).at[row].add(1.0)
    deg_inv_sqrt = jnp.where(deg > 0, 1.0 / jnp.sqrt(deg), 0.0)
    norm = deg_inv_sqrt[row] * deg_inv_sqrt[col]
    h = X @ W
    msg = h[col] * norm[:, None]
    out = jnp.zeros_like(h).at[row].add(msg)
    return out + b


def reference(X, edge_index, W, b):
    N = X.shape[0]
    Xc = jax.nn.relu(_gcn_conv(X, edge_index, W, b))
    row = edge_index[0]
    col = edge_index[1]
    diffs = jnp.sum(jnp.power(jnp.abs(Xc[row] - Xc[col]), P), axis=-1)
    sums = jnp.zeros((N,), dtype=Xc.dtype).at[row].add(diffs)
    cnt = jnp.zeros((N,), dtype=Xc.dtype).at[row].add(1.0)
    gg = sums / jnp.maximum(cnt, 1.0)  # scatter-mean; empty segments -> 0
    return jnp.tanh(gg)

if __name__ == "__main__":
    import jax
    _d = setup_inputs()
    print(jax.jit(kernel)(*tuple(_d.values())))

</pallas_src>

<mosaic_0001>
#map = affine_map<(d0, d1) -> (0, 0, 0, 0)>
#map1 = affine_map<(d0, d1) -> (0, 0)>
#map2 = affine_map<(d0, d1) -> (0, 0, 0)>
module attributes {stable_mosaic.version = 14 : i64} {
  func.func @spmm(%arg0: i32, %arg1: i32, %arg2: memref<2x16x125x80xi32, #tpu.memory_space<hbm>>, %arg3: memref<2x16x125x80xi32, #tpu.memory_space<hbm>>, %arg4: memref<10000x128xbf16, #tpu.memory_space<hbm>>, %arg5: memref<2x10000x128xbf16, #tpu.memory_space<hbm>>, %arg6: memref<125x80xi32, #tpu.memory_space<vmem>>, %arg7: memref<125x80xi32, #tpu.memory_space<vmem>>, %arg8: memref<80x128xbf16, #tpu.memory_space<vmem>>, %arg9: memref<80x128xbf16, #tpu.memory_space<vmem>>, %arg10: memref<125x128xbf16, #tpu.memory_space<vmem>>, %arg11: memref<10000x128xbf16, #tpu.memory_space<vmem_shared>>, %arg12: memref<!tpu.dma_semaphore, #tpu.memory_space<semaphore_mem>>, %arg13: memref<!tpu.dma_semaphore, #tpu.memory_space<semaphore_mem>>) attributes {dimension_semantics = [#tpu.dimension_semantics<core_parallel>, #tpu.dimension_semantics<subcore_parallel>], iteration_bounds = array<i64: 2, 16>, scalar_prefetch = 0 : i64, scratch_operands = 8 : i64, tpu.core_type = #tpu.core_type<sc_vector_subcore>, window_params = [{transform_indices = #map}, {transform_indices = #map}, {transform_indices = #map1}, {transform_indices = #map2}]} {
    %mul3A = arith.constant 16 : i32
    %mul3A_0 = arith.muli %arg0, %mul3A : i32
    %add3A = arith.addi %mul3A_0, %arg1 : i32
    "tpu.region"() ({
      %run_scoped3A_64 = tpu.sem_alloc : memref<!tpu.dma_semaphore, #tpu.memory_space<semaphore_mem>>
      %dma_start3A_65 = arith.constant 0 : i32
      %dma_start3A_66 = arith.constant 0 : i32
      %dma_start3A_67 = tpu.memref_slice %arg2[%arg0, %arg1, %dma_start3A_65, %dma_start3A_66] : memref<2x16x125x80xi32, #tpu.memory_space<hbm>> -> memref<1x1x125x80xi32, #tpu.memory_space<hbm>>
      %dma_start3A_68 = tpu.memref_squeeze %dma_start3A_67 : memref<1x1x125x80xi32, #tpu.memory_space<hbm>> -> memref<125x80xi32, #tpu.memory_space<hbm>>
      %dma_start3A_69 = arith.constant 0 : i32
      %dma_start3A_70 = arith.constant 0 : i32
      %dma_start3A_71 = tpu.memref_slice %arg2[%arg0, %arg1, %dma_start3A_69, %dma_start3A_70] : memref<2x16x125x80xi32, #tpu.memory_space<hbm>> -> memref<1x1x125x80xi32, #tpu.memory_space<hbm>>
      %dma_start3A_72 = tpu.memref_squeeze %dma_start3A_71 : memref<1x1x125x80xi32, #tpu.memory_space<hbm>> -> memref<125x80xi32, #tpu.memory_space<hbm>>
      tpu.enqueue_dma source(%dma_start3A_72 : memref<125x80xi32, #tpu.memory_space<hbm>>) target(%arg6 : memref<125x80xi32, #tpu.memory_space<vmem>>) target_semaphore(%run_scoped3A_64 : memref<!tpu.dma_semaphore, #tpu.memory_space<semaphore_mem>>)
      %dma_wait3A_73 = arith.constant 0 : i32
      %dma_wait3A_74 = arith.constant 0 : i32
      %dma_wait3A_75 = tpu.memref_slice %arg2[%arg0, %arg1, %dma_wait3A_73, %dma_wait3A_74] : memref<2x16x125x80xi32, #tpu.memory_space<hbm>> -> memref<1x1x125x80xi32, #tpu.memory_space<hbm>>
      %dma_wait3A_76 = tpu.memref_squeeze %dma_wait3A_75 : memref<1x1x125x80xi32, #tpu.memory_space<hbm>> -> memref<125x80xi32, #tpu.memory_space<hbm>>
      %dma_wait3A_77 = arith.constant 0 : i32
      %dma_wait3A_78 = arith.constant 0 : i32
      %dma_wait3A_79 = tpu.memref_slice %arg2[%arg0, %arg1, %dma_wait3A_77, %dma_wait3A_78] : memref<2x16x125x80xi32, #tpu.memory_space<hbm>> -> memref<1x1x125x80xi32, #tpu.memory_space<hbm>>
      %dma_wait3A_80 = tpu.memref_squeeze %dma_wait3A_79 : memref<1x1x125x80xi32, #tpu.memory_space<hbm>> -> memref<125x80xi32, #tpu.memory_space<hbm>>
      tpu.wait_dma2 semaphore(%run_scoped3A_64 : memref<!tpu.dma_semaphore, #tpu.memory_space<semaphore_mem>>) src(%dma_wait3A_80 : memref<125x80xi32, #tpu.memory_space<hbm>>) dst(%arg6 : memref<125x80xi32, #tpu.memory_space<vmem>>)
      tpu.yield
    }) : () -> ()
    "tpu.region"() ({
      %run_scoped3A_64 = tpu.sem_alloc : memref<!tpu.dma_semaphore, #tpu.memory_space<semaphore_mem>>
      %dma_start3A_65 = arith.constant 0 : i32
      %dma_start3A_66 = arith.constant 0 : i32
      %dma_start3A_67 = tpu.memref_slice %arg3[%arg0, %arg1, %dma_start3A_65, %dma_start3A_66] : memref<2x16x125x80xi32, #tpu.memory_space<hbm>> -> memref<1x1x125x80xi32, #tpu.memory_space<hbm>>
      %dma_start3A_68 = tpu.memref_squeeze %dma_start3A_67 : memref<1x1x125x80xi32, #tpu.memory_space<hbm>> -> memref<125x80xi32, #tpu.memory_space<hbm>>
      %dma_start3A_69 = arith.constant 0 : i32
      %dma_start3A_70 = arith.constant 0 : i32
      %dma_start3A_71 = tpu.memref_slice %arg3[%arg0, %arg1, %dma_start3A_69, %dma_start3A_70] : memref<2x16x125x80xi32, #tpu.memory_space<hbm>> -> memref<1x1x125x80xi32, #tpu.memory_space<hbm>>
      %dma_start3A_72 = tpu.memref_squeeze %dma_start3A_71 : memref<1x1x125x80xi32, #tpu.memory_space<hbm>> -> memref<125x80xi32, #tpu.memory_space<hbm>>
      tpu.enqueue_dma source(%dma_start3A_72 : memref<125x80xi32, #tpu.memory_space<hbm>>) target(%arg7 : memref<125x80xi32, #tpu.memory_space<vmem>>) target_semaphore(%run_scoped3A_64 : memref<!tpu.dma_semaphore, #tpu.memory_space<semaphore_mem>>)
      %dma_wait3A_73 = arith.constant 0 : i32
      %dma_wait3A_74 = arith.constant 0 : i32
      %dma_wait3A_75 = tpu.memref_slice %arg3[%arg0, %arg1, %dma_wait3A_73, %dma_wait3A_74] : memref<2x16x125x80xi32, #tpu.memory_space<hbm>> -> memref<1x1x125x80xi32, #tpu.memory_space<hbm>>
      %dma_wait3A_76 = tpu.memref_squeeze %dma_wait3A_75 : memref<1x1x125x80xi32, #tpu.memory_space<hbm>> -> memref<125x80xi32, #tpu.memory_space<hbm>>
      %dma_wait3A_77 = arith.constant 0 : i32
      %dma_wait3A_78 = arith.constant 0 : i32
      %dma_wait3A_79 = tpu.memref_slice %arg3[%arg0, %arg1, %dma_wait3A_77, %dma_wait3A_78] : memref<2x16x125x80xi32, #tpu.memory_space<hbm>> -> memref<1x1x125x80xi32, #tpu.memory_space<hbm>>
      %dma_wait3A_80 = tpu.memref_squeeze %dma_wait3A_79 : memref<1x1x125x80xi32, #tpu.memory_space<hbm>> -> memref<125x80xi32, #tpu.memory_space<hbm>>
      tpu.wait_dma2 semaphore(%run_scoped3A_64 : memref<!tpu.dma_semaphore, #tpu.memory_space<semaphore_mem>>) src(%dma_wait3A_80 : memref<125x80xi32, #tpu.memory_space<hbm>>) dst(%arg7 : memref<125x80xi32, #tpu.memory_space<vmem>>)
      tpu.yield
    }) : () -> ()
    %broadcast_in_dim3A = arith.constant 0.000000e+00 : bf16
    %broadcast_in_dim3A_1 = vector.broadcast %broadcast_in_dim3A : bf16 to vector<32xbf16>
    %scan3A = arith.constant 0 : i32
    %scan3A_2 = arith.constant 0 : i32
    %scan3A_3 = arith.constant 500 : i32
    %scan3A_4 = arith.addi %scan3A_2, %scan3A_3 : i32
    %scan3A_5 = arith.constant 1 : i32
    scf.for %scan3A_64 = %scan3A_2 to %scan3A_4 step %scan3A_5  : i32 {
      %jit3A = arith.constant 4 : i32
      %div3A = arith.divsi %scan3A_64, %jit3A : i32
      %sign3A = arith.constant 0 : i32
      %sign3A_65 = arith.cmpi sgt, %scan3A_64, %sign3A : i32
      %sign3A_66 = arith.extui %sign3A_65 : i1 to i32
      %sign3A_67 = arith.constant 0 : i32
      %sign3A_68 = arith.cmpi slt, %scan3A_64, %sign3A_67 : i32
      %sign3A_69 = arith.extui %sign3A_68 : i1 to i32
      %sign3A_70 = arith.subi %sign3A_66, %sign3A_69 : i32
      %sign3A_71 = arith.constant 0 : i32
      %sign3A_72 = arith.cmpi sgt, %jit3A, %sign3A_71 : i32
      %sign3A_73 = arith.extui %sign3A_72 : i1 to i32
      %sign3A_74 = arith.constant 0 : i32
      %sign3A_75 = arith.cmpi slt, %jit3A, %sign3A_74 : i32
      %sign3A_76 = arith.extui %sign3A_75 : i1 to i32
      %sign3A_77 = arith.subi %sign3A_73, %sign3A_76 : i32
      %ne3A = arith.cmpi ne, %sign3A_70, %sign3A_77 : i32
      %rem3A = arith.remsi %scan3A_64, %jit3A : i32
      %ne3A_78 = arith.constant 0 : i32
      %ne3A_79 = arith.cmpi ne, %rem3A, %ne3A_78 : i32
      %and3A = arith.andi %ne3A, %ne3A_79 : i1
      %sub3A = arith.constant 1 : i32
      %sub3A_80 = arith.subi %div3A, %sub3A : i32
      %select_n3A = arith.select %and3A, %sub3A_80, %div3A : i32
      %jit3A_81 = arith.constant 4 : i32
      %eq3A = arith.constant 0 : i32
      %eq3A_82 = arith.cmpi eq, %jit3A_81, %eq3A : i32
      %jit3A_83 = arith.constant 1 : i32
      %select_n3A_84 = arith.select %eq3A_82, %jit3A_83, %jit3A_81 : i32
      %rem3A_85 = arith.remsi %scan3A_64, %select_n3A_84 : i32
      %ne3A_86 = arith.constant 0 : i32
      %ne3A_87 = arith.cmpi ne, %rem3A_85, %ne3A_86 : i32
      %lt3A = arith.constant 0 : i32
      %lt3A_88 = arith.cmpi slt, %rem3A_85, %lt3A : i32
      %lt3A_89 = arith.constant 0 : i32
      %lt3A_90 = arith.cmpi slt, %select_n3A_84, %lt3A_89 : i32
      %ne3A_91 = arith.xori %lt3A_88, %lt3A_90 : i1
      %and3A_92 = arith.andi %ne3A_91, %ne3A_87 : i1
      %add3A_93 = arith.addi %rem3A_85, %select_n3A_84 : i32
      %select_n3A_94 = arith.select %and3A_92, %add3A_93, %rem3A_85 : i32
      %mul3A_95 = arith.constant 32 : i32
      %mul3A_96 = arith.muli %select_n3A_94, %mul3A_95 : i32
      %swap3A = arith.index_cast %select_n3A : i32 to index
      %swap3A_97 = arith.index_cast %mul3A_96 : i32 to index
      %swap3A_98 = tpu.vector_load %arg10[%swap3A, %swap3A_97] {strides = array<i32>} : memref<125x128xbf16, #tpu.memory_space<vmem>>, vector<32xbf16>,
      tpu.vector_store %arg10[%swap3A, %swap3A_97], %broadcast_in_dim3A_1 {strides = array<i32>} : memref<125x128xbf16, #tpu.memory_space<vmem>>, vector<32xbf16>,
    }
    %scan3A_6 = arith.constant 500 : i32
    %mul3A_7 = arith.constant 625 : i32
    %mul3A_8 = arith.muli %arg1, %mul3A_7 : i32
    %add3A_9 = arith.constant 0 : i32
    %add3A_10 = arith.addi %mul3A_8, %add3A_9 : i32
    "tpu.region"() ({
      %run_scoped3A_64 = tpu.sem_alloc : memref<!tpu.dma_semaphore, #tpu.memory_space<semaphore_mem>>
      %dma_start3A_65 = arith.constant 0 : i32
      %dma_start3A_66 = tpu.memref_slice %arg11[%add3A_10, %dma_start3A_65] : memref<10000x128xbf16, #tpu.memory_space<vmem_shared>> -> memref<125x128xbf16, #tpu.memory_space<vmem_shared>>
      %dma_start3A_67 = arith.constant 0 : i32
      %dma_start3A_68 = tpu.memref_slice %arg11[%add3A_10, %dma_start3A_67] : memref<10000x128xbf16, #tpu.memory_space<vmem_shared>> -> memref<125x128xbf16, #tpu.memory_space<vmem_shared>>
      tpu.enqueue_dma source(%arg10 : memref<125x128xbf16, #tpu.memory_space<vmem>>) target(%dma_start3A_68 : memref<125x128xbf16, #tpu.memory_space<vmem_shared>>) target_semaphore(%run_scoped3A_64 : memref<!tpu.dma_semaphore, #tpu.memory_space<semaphore_mem>>)
      %dma_wait3A_69 = arith.constant 0 : i32
      %dma_wait3A_70 = tpu.memref_slice %arg11[%add3A_10, %dma_wait3A_69] : memref<10000x128xbf16, #tpu.memory_space<vmem_shared>> -> memref<125x128xbf16, #tpu.memory_space<vmem_shared>>
      %dma_wait3A_71 = arith.constant 0 : i32
      %dma_wait3A_72 = tpu.memref_slice %arg11[%add3A_10, %dma_wait3A_71] : memref<10000x128xbf16, #tpu.memory_space<vmem_shared>> -> memref<125x128xbf16, #tpu.memory_space<vmem_shared>>
      tpu.wait_dma2 semaphore(%run_scoped3A_64 : memref<!tpu.dma_semaphore, #tpu.memory_space<semaphore_mem>>) src(%arg10 : memref<125x128xbf16, #tpu.memory_space<vmem>>) dst(%dma_wait3A_72 : memref<125x128xbf16, #tpu.memory_space<vmem_shared>>)
      tpu.yield
    }) : () -> ()
    %mul3A_11 = arith.constant 625 : i32
    %mul3A_12 = arith.muli %arg1, %mul3A_11 : i32
    %add3A_13 = arith.constant 125 : i32
    %add3A_14 = arith.addi %mul3A_12, %add3A_13 : i32
    "tpu.region"() ({
      %run_scoped3A_64 = tpu.sem_alloc : memref<!tpu.dma_semaphore, #tpu.memory_space<semaphore_mem>>
      %dma_start3A_65 = arith.constant 0 : i32
      %dma_start3A_66 = tpu.memref_slice %arg11[%add3A_14, %dma_start3A_65] : memref<10000x128xbf16, #tpu.memory_space<vmem_shared>> -> memref<125x128xbf16, #tpu.memory_space<vmem_shared>>
      %dma_start3A_67 = arith.constant 0 : i32
      %dma_start3A_68 = tpu.memref_slice %arg11[%add3A_14, %dma_start3A_67] : memref<10000x128xbf16, #tpu.memory_space<vmem_shared>> -> memref<125x128xbf16, #tpu.memory_space<vmem_shared>>
      tpu.enqueue_dma source(%arg10 : memref<125x128xbf16, #tpu.memory_space<vmem>>) target(%dma_start3A_68 : memref<125x128xbf16, #tpu.memory_space<vmem_shared>>) target_semaphore(%run_scoped3A_64 : memref<!tpu.dma_semaphore, #tpu.memory_space<semaphore_mem>>)
      %dma_wait3A_69 = arith.constant 0 : i32
      %dma_wait3A_70 = tpu.memref_slice %arg11[%add3A_14, %dma_wait3A_69] : memref<10000x128xbf16, #tpu.memory_space<vmem_shared>> -> memref<125x128xbf16, #tpu.memory_space<vmem_shared>>
      %dma_wait3A_71 = arith.constant 0 : i32
      %dma_wait3A_72 = tpu.memref_slice %arg11[%add3A_14, %dma_wait3A_71] : memref<10000x128xbf16, #tpu.memory_space<vmem_shared>> -> memref<125x128xbf16, #tpu.memory_space<vmem_shared>>
      tpu.wait_dma2 semaphore(%run_scoped3A_64 : memref<!tpu.dma_semaphore, #tpu.memory_space<semaphore_mem>>) src(%arg10 : memref<125x128xbf16, #tpu.memory_space<vmem>>) dst(%dma_wait3A_72 : memref<125x128xbf16, #tpu.memory_space<vmem_shared>>)
      tpu.yield
    }) : () -> ()
    %mul3A_15 = arith.constant 625 : i32
    %mul3A_16 = arith.muli %arg1, %mul3A_15 : i32
    %add3A_17 = arith.constant 250 : i32
    %add3A_18 = arith.addi %mul3A_16, %add3A_17 : i32
    "tpu.region"() ({
      %run_scoped3A_64 = tpu.sem_alloc : memref<!tpu.dma_semaphore, #tpu.memory_space<semaphore_mem>>
      %dma_start3A_65 = arith.constant 0 : i32
      %dma_start3A_66 = tpu.memref_slice %arg11[%add3A_18, %dma_start3A_65] : memref<10000x128xbf16, #tpu.memory_space<vmem_shared>> -> memref<125x128xbf16, #tpu.memory_space<vmem_shared>>
      %dma_start3A_67 = arith.constant 0 : i32
      %dma_start3A_68 = tpu.memref_slice %arg11[%add3A_18, %dma_start3A_67] : memref<10000x128xbf16, #tpu.memory_space<vmem_shared>> -> memref<125x128xbf16, #tpu.memory_space<vmem_shared>>
      tpu.enqueue_dma source(%arg10 : memref<125x128xbf16, #tpu.memory_space<vmem>>) target(%dma_start3A_68 : memref<125x128xbf16, #tpu.memory_space<vmem_shared>>) target_semaphore(%run_scoped3A_64 : memref<!tpu.dma_semaphore, #tpu.memory_space<semaphore_mem>>)
      %dma_wait3A_69 = arith.constant 0 : i32
      %dma_wait3A_70 = tpu.memref_slice %arg11[%add3A_18, %dma_wait3A_69] : memref<10000x128xbf16, #tpu.memory_space<vmem_shared>> -> memref<125x128xbf16, #tpu.memory_space<vmem_shared>>
      %dma_wait3A_71 = arith.constant 0 : i32
      %dma_wait3A_72 = tpu.memref_slice %arg11[%add3A_18, %dma_wait3A_71] : memref<10000x128xbf16, #tpu.memory_space<vmem_shared>> -> memref<125x128xbf16, #tpu.memory_space<vmem_shared>>
      tpu.wait_dma2 semaphore(%run_scoped3A_64 : memref<!tpu.dma_semaphore, #tpu.memory_space<semaphore_mem>>) src(%arg10 : memref<125x128xbf16, #tpu.memory_space<vmem>>) dst(%dma_wait3A_72 : memref<125x128xbf16, #tpu.memory_space<vmem_shared>>)
      tpu.yield
    }) : () -> ()
    %mul3A_19 = arith.constant 625 : i32
    %mul3A_20 = arith.muli %arg1, %mul3A_19 : i32
    %add3A_21 = arith.constant 375 : i32
    %add3A_22 = arith.addi %mul3A_20, %add3A_21 : i32
    "tpu.region"() ({
      %run_scoped3A_64 = tpu.sem_alloc : memref<!tpu.dma_semaphore, #tpu.memory_space<semaphore_mem>>
      %dma_start3A_65 = arith.constant 0 : i32
      %dma_start3A_66 = tpu.memref_slice %arg11[%add3A_22, %dma_start3A_65] : memref<10000x128xbf16, #tpu.memory_space<vmem_shared>> -> memref<125x128xbf16, #tpu.memory_space<vmem_shared>>
      %dma_start3A_67 = arith.constant 0 : i32
      %dma_start3A_68 = tpu.memref_slice %arg11[%add3A_22, %dma_start3A_67] : memref<10000x128xbf16, #tpu.memory_space<vmem_shared>> -> memref<125x128xbf16, #tpu.memory_space<vmem_shared>>
      tpu.enqueue_dma source(%arg10 : memref<125x128xbf16, #tpu.memory_space<vmem>>) target(%dma_start3A_68 : memref<125x128xbf16, #tpu.memory_space<vmem_shared>>) target_semaphore(%run_scoped3A_64 : memref<!tpu.dma_semaphore, #tpu.memory_space<semaphore_mem>>)
      %dma_wait3A_69 = arith.constant 0 : i32
      %dma_wait3A_70 = tpu.memref_slice %arg11[%add3A_22, %dma_wait3A_69] : memref<10000x128xbf16, #tpu.memory_space<vmem_shared>> -> memref<125x128xbf16, #tpu.memory_space<vmem_shared>>
      %dma_wait3A_71 = arith.constant 0 : i32
      %dma_wait3A_72 = tpu.memref_slice %arg11[%add3A_22, %dma_wait3A_71] : memref<10000x128xbf16, #tpu.memory_space<vmem_shared>> -> memref<125x128xbf16, #tpu.memory_space<vmem_shared>>
      tpu.wait_dma2 semaphore(%run_scoped3A_64 : memref<!tpu.dma_semaphore, #tpu.memory_space<semaphore_mem>>) src(%arg10 : memref<125x128xbf16, #tpu.memory_space<vmem>>) dst(%dma_wait3A_72 : memref<125x128xbf16, #tpu.memory_space<vmem_shared>>)
      tpu.yield
    }) : () -> ()
    %mul3A_23 = arith.constant 625 : i32
    %mul3A_24 = arith.muli %arg1, %mul3A_23 : i32
    %add3A_25 = arith.constant 500 : i32
    %add3A_26 = arith.addi %mul3A_24, %add3A_25 : i32
    "tpu.region"() ({
      %run_scoped3A_64 = tpu.sem_alloc : memref<!tpu.dma_semaphore, #tpu.memory_space<semaphore_mem>>
      %dma_start3A_65 = arith.constant 0 : i32
      %dma_start3A_66 = tpu.memref_slice %arg11[%add3A_26, %dma_start3A_65] : memref<10000x128xbf16, #tpu.memory_space<vmem_shared>> -> memref<125x128xbf16, #tpu.memory_space<vmem_shared>>
      %dma_start3A_67 = arith.constant 0 : i32
      %dma_start3A_68 = tpu.memref_slice %arg11[%add3A_26, %dma_start3A_67] : memref<10000x128xbf16, #tpu.memory_space<vmem_shared>> -> memref<125x128xbf16, #tpu.memory_space<vmem_shared>>
      tpu.enqueue_dma source(%arg10 : memref<125x128xbf16, #tpu.memory_space<vmem>>) target(%dma_start3A_68 : memref<125x128xbf16, #tpu.memory_space<vmem_shared>>) target_semaphore(%run_scoped3A_64 : memref<!tpu.dma_semaphore, #tpu.memory_space<semaphore_mem>>)
      %dma_wait3A_69 = arith.constant 0 : i32
      %dma_wait3A_70 = tpu.memref_slice %arg11[%add3A_26, %dma_wait3A_69] : memref<10000x128xbf16, #tpu.memory_space<vmem_shared>> -> memref<125x128xbf16, #tpu.memory_space<vmem_shared>>
      %dma_wait3A_71 = arith.constant 0 : i32
      %dma_wait3A_72 = tpu.memref_slice %arg11[%add3A_26, %dma_wait3A_71] : memref<10000x128xbf16, #tpu.memory_space<vmem_shared>> -> memref<125x128xbf16, #tpu.memory_space<vmem_shared>>
      tpu.wait_dma2 semaphore(%run_scoped3A_64 : memref<!tpu.dma_semaphore, #tpu.memory_space<semaphore_mem>>) src(%arg10 : memref<125x128xbf16, #tpu.memory_space<vmem>>) dst(%dma_wait3A_72 : memref<125x128xbf16, #tpu.memory_space<vmem_shared>>)
      tpu.yield
    }) : () -> ()
    %barrier3A = arith.constant 0 : index
    tpu.barrier barrier_id(%barrier3A)
    %dma_start3A = arith.constant 0 : i32
    %dma_start3A_27 = arith.constant 0 : i32
    %dma_start3A_28 = tpu.memref_slice %arg7[%dma_start3A, %dma_start3A_27] : memref<125x80xi32, #tpu.memory_space<vmem>> -> memref<1x80xi32, #tpu.memory_space<vmem>>
    %dma_start3A_29 = tpu.memref_squeeze %dma_start3A_28 : memref<1x80xi32, #tpu.memory_space<vmem>> -> memref<80xi32, #tpu.memory_space<vmem>>
    %dma_start3A_30 = arith.constant 0 : i32
    %dma_start3A_31 = arith.constant 0 : i32
    %dma_start3A_32 = tpu.memref_slice %arg4[%dma_start3A_30, %dma_start3A_31] : memref<10000x128xbf16, #tpu.memory_space<hbm>> -> memref<10000x128xbf16, #tpu.memory_space<hbm>>
    tpu.enqueue_indirect_dma source(%dma_start3A_32 : memref<10000x128xbf16, #tpu.memory_space<hbm>>) target(%arg8 : memref<80x128xbf16, #tpu.memory_space<vmem>>) offsets(%dma_start3A_29 : memref<80xi32, #tpu.memory_space<vmem>>) semaphore(%arg12 : memref<!tpu.dma_semaphore, #tpu.memory_space<semaphore_mem>>)
    %dma_start3A_33 = arith.constant 1 : i32
    %dma_start3A_34 = arith.constant 0 : i32
    %dma_start3A_35 = tpu.memref_slice %arg7[%dma_start3A_33, %dma_start3A_34] : memref<125x80xi32, #tpu.memory_space<vmem>> -> memref<1x80xi32, #tpu.memory_space<vmem>>
    %dma_start3A_36 = tpu.memref_squeeze %dma_start3A_35 : memref<1x80xi32, #tpu.memory_space<vmem>> -> memref<80xi32, #tpu.memory_space<vmem>>
    %dma_start3A_37 = arith.constant 0 : i32
    %dma_start3A_38 = arith.constant 0 : i32
    %dma_start3A_39 = tpu.memref_slice %arg4[%dma_start3A_37, %dma_start3A_38] : memref<10000x128xbf16, #tpu.memory_space<hbm>> -> memref<10000x128xbf16, #tpu.memory_space<hbm>>
    tpu.enqueue_indirect_dma source(%dma_start3A_39 : memref<10000x128xbf16, #tpu.memory_space<hbm>>) target(%arg9 : memref<80x128xbf16, #tpu.memory_space<vmem>>) offsets(%dma_start3A_36 : memref<80xi32, #tpu.memory_space<vmem>>) semaphore(%arg13 : memref<!tpu.dma_semaphore, #tpu.memory_space<semaphore_mem>>)
    %scan3A_40 = arith.constant 0 : i32
    %scan3A_41 = arith.constant 0 : i32
    %scan3A_42 = arith.constant 62 : i32
    %scan3A_43 = arith.addi %scan3A_41, %scan3A_42 : i32
    %scan3A_44 = arith.constant 1 : i32
    scf.for %scan3A_64 = %scan3A_41 to %scan3A_43 step %scan3A_44  : i32 {
      %mul3A_65 = arith.constant 2 : i32
      %mul3A_66 = arith.muli %mul3A_65, %scan3A_64 : i32
      %mul3A_67 = arith.constant 2 : i32
      %mul3A_68 = arith.muli %mul3A_67, %scan3A_64 : i32
      %add3A_69 = arith.constant 1 : i32
      %add3A_70 = arith.addi %mul3A_68, %add3A_69 : i32
      %add3A_71 = arith.constant 2 : i32
      %add3A_72 = arith.addi %mul3A_66, %add3A_71 : i32
      %min3A = arith.constant 124 : i32
      %min3A_73 = arith.minsi %add3A_72, %min3A : i32
      %dma_wait3A_74 = arith.constant 0 : i32
      %dma_wait3A_75 = tpu.memref_slice %arg7[%mul3A_66, %dma_wait3A_74] : memref<125x80xi32, #tpu.memory_space<vmem>> -> memref<1x80xi32, #tpu.memory_space<vmem>>
      %dma_wait3A_76 = tpu.memref_squeeze %dma_wait3A_75 : memref<1x80xi32, #tpu.memory_space<vmem>> -> memref<80xi32, #tpu.memory_space<vmem>>
      %dma_wait3A_77 = arith.constant 0 : i32
      %dma_wait3A_78 = arith.constant 0 : i32
      %dma_wait3A_79 = tpu.memref_slice %arg4[%dma_wait3A_77, %dma_wait3A_78] : memref<10000x128xbf16, #tpu.memory_space<hbm>> -> memref<10000x128xbf16, #tpu.memory_space<hbm>>
      tpu.wait_indirect_dma semaphore(%arg12 : memref<!tpu.dma_semaphore, #tpu.memory_space<semaphore_mem>>) src(%dma_wait3A_79 : memref<10000x128xbf16, #tpu.memory_space<hbm>>) dst(%arg8 : memref<80x128xbf16, #tpu.memory_space<vmem>>)
      "tpu.region"() ({
        %run_scoped3A_102 = tpu.sem_alloc : memref<!tpu.dma_semaphore, #tpu.memory_space<semaphore_mem>>
        %dma_start3A_103 = arith.constant 0 : i32
        %dma_start3A_104 = tpu.memref_slice %arg6[%mul3A_66, %dma_start3A_103] : memref<125x80xi32, #tpu.memory_space<vmem>> -> memref<1x80xi32, #tpu.memory_space<vmem>>
        %dma_start3A_105 = tpu.memref_squeeze %dma_start3A_104 : memref<1x80xi32, #tpu.memory_space<vmem>> -> memref<80xi32, #tpu.memory_space<vmem>>
        %dma_start3A_106 = arith.constant 0 : i32
        %dma_start3A_107 = arith.constant 0 : i32
        %dma_start3A_108 = tpu.memref_slice %arg11[%dma_start3A_106, %dma_start3A_107] : memref<10000x128xbf16, #tpu.memory_space<vmem_shared>> -> memref<10000x128xbf16, #tpu.memory_space<vmem_shared>>
        tpu.enqueue_indirect_dma source(%arg8 : memref<80x128xbf16, #tpu.memory_space<vmem>>) target(%dma_start3A_108 : memref<10000x128xbf16, #tpu.memory_space<vmem_shared>>) offsets(%dma_start3A_105 : memref<80xi32, #tpu.memory_space<vmem>>) semaphore(%run_scoped3A_102 : memref<!tpu.dma_semaphore, #tpu.memory_space<semaphore_mem>>) {add = true}
        %dma_wait3A_109 = arith.constant 0 : i32
        %dma_wait3A_110 = tpu.memref_slice %arg6[%mul3A_66, %dma_wait3A_109] : memref<125x80xi32, #tpu.memory_space<vmem>> -> memref<1x80xi32, #tpu.memory_space<vmem>>
        %dma_wait3A_111 = tpu.memref_squeeze %dma_wait3A_110 : memref<1x80xi32, #tpu.memory_space<vmem>> -> memref<80xi32, #tpu.memory_space<vmem>>
        %dma_wait3A_112 = arith.constant 0 : i32
        %dma_wait3A_113 = arith.constant 0 : i32
        %dma_wait3A_114 = tpu.memref_slice %arg11[%dma_wait3A_112, %dma_wait3A_113] : memref<10000x128xbf16, #tpu.memory_space<vmem_shared>> -> memref<10000x128xbf16, #tpu.memory_space<vmem_shared>>
        tpu.wait_indirect_dma semaphore(%run_scoped3A_102 : memref<!tpu.dma_semaphore, #tpu.memory_space<semaphore_mem>>) src(%arg8 : memref<80x128xbf16, #tpu.memory_space<vmem>>) dst(%dma_wait3A_114 : memref<10000x128xbf16, #tpu.memory_space<vmem_shared>>)
        tpu.yield
      }) : () -> ()
      %dma_start3A_80 = arith.constant 0 : i32
      %dma_start3A_81 = tpu.memref_slice %arg7[%min3A_73, %dma_start3A_80] : memref<125x80xi32, #tpu.memory_space<vmem>> -> memref<1x80xi32, #tpu.memory_space<vmem>>
      %dma_start3A_82 = tpu.memref_squeeze %dma_start3A_81 : memref<1x80xi32, #tpu.memory_space<vmem>> -> memref<80xi32, #tpu.memory_space<vmem>>
      %dma_start3A_83 = arith.constant 0 : i32
      %dma_start3A_84 = arith.constant 0 : i32
      %dma_start3A_85 = tpu.memref_slice %arg4[%dma_start3A_83, %dma_start3A_84] : memref<10000x128xbf16, #tpu.memory_space<hbm>> -> memref<10000x128xbf16, #tpu.memory_space<hbm>>
      tpu.enqueue_indirect_dma source(%dma_start3A_85 : memref<10000x128xbf16, #tpu.memory_space<hbm>>) target(%arg8 : memref<80x128xbf16, #tpu.memory_space<vmem>>) offsets(%dma_start3A_82 : memref<80xi32, #tpu.memory_space<vmem>>) semaphore(%arg12 : memref<!tpu.dma_semaphore, #tpu.memory_space<semaphore_mem>>)
      %add3A_86 = arith.constant 2 : i32
      %add3A_87 = arith.addi %add3A_70, %add3A_86 : i32
      %min3A_88 = arith.constant 124 : i32
      %min3A_89 = arith.minsi %add3A_87, %min3A_88 : i32
      %dma_wait3A_90 = arith.constant 0 : i32
      %dma_wait3A_91 = tpu.memref_slice %arg7[%add3A_70, %dma_wait3A_90] : memref<125x80xi32, #tpu.memory_space<vmem>> -> memref<1x80xi32, #tpu.memory_space<vmem>>
      %dma_wait3A_92 = tpu.memref_squeeze %dma_wait3A_91 : memref<1x80xi32, #tpu.memory_space<vmem>> -> memref<80xi32, #tpu.memory_space<vmem>>
      %dma_wait3A_93 = arith.constant 0 : i32
      %dma_wait3A_94 = arith.constant 0 : i32
      %dma_wait3A_95 = tpu.memref_slice %arg4[%dma_wait3A_93, %dma_wait3A_94] : memref<10000x128xbf16, #tpu.memory_space<hbm>> -> memref<10000x128xbf16, #tpu.memory_space<hbm>>
      tpu.wait_indirect_dma semaphore(%arg13 : memref<!tpu.dma_semaphore, #tpu.memory_space<semaphore_mem>>) src(%dma_wait3A_95 : memref<10000x128xbf16, #tpu.memory_space<hbm>>) dst(%arg9 : memref<80x128xbf16, #tpu.memory_space<vmem>>)
      "tpu.region"() ({
        %run_scoped3A_102 = tpu.sem_alloc : memref<!tpu.dma_semaphore, #tpu.memory_space<semaphore_mem>>
        %dma_start3A_103 = arith.constant 0 : i32
        %dma_start3A_104 = tpu.memref_slice %arg6[%add3A_70, %dma_start3A_103] : memref<125x80xi32, #tpu.memory_space<vmem>> -> memref<1x80xi32, #tpu.memory_space<vmem>>
        %dma_start3A_105 = tpu.memref_squeeze %dma_start3A_104 : memref<1x80xi32, #tpu.memory_space<vmem>> -> memref<80xi32, #tpu.memory_space<vmem>>
        %dma_start3A_106 = arith.constant 0 : i32
        %dma_start3A_107 = arith.constant 0 : i32
        %dma_start3A_108 = tpu.memref_slice %arg11[%dma_start3A_106, %dma_start3A_107] : memref<10000x128xbf16, #tpu.memory_space<vmem_shared>> -> memref<10000x128xbf16, #tpu.memory_space<vmem_shared>>
        tpu.enqueue_indirect_dma source(%arg9 : memref<80x128xbf16, #tpu.memory_space<vmem>>) target(%dma_start3A_108 : memref<10000x128xbf16, #tpu.memory_space<vmem_shared>>) offsets(%dma_start3A_105 : memref<80xi32, #tpu.memory_space<vmem>>) semaphore(%run_scoped3A_102 : memref<!tpu.dma_semaphore, #tpu.memory_space<semaphore_mem>>) {add = true}
        %dma_wait3A_109 = arith.constant 0 : i32
        %dma_wait3A_110 = tpu.memref_slice %arg6[%add3A_70, %dma_wait3A_109] : memref<125x80xi32, #tpu.memory_space<vmem>> -> memref<1x80xi32, #tpu.memory_space<vmem>>
        %dma_wait3A_111 = tpu.memref_squeeze %dma_wait3A_110 : memref<1x80xi32, #tpu.memory_space<vmem>> -> memref<80xi32, #tpu.memory_space<vmem>>
        %dma_wait3A_112 = arith.constant 0 : i32
        %dma_wait3A_113 = arith.constant 0 : i32
        %dma_wait3A_114 = tpu.memref_slice %arg11[%dma_wait3A_112, %dma_wait3A_113] : memref<10000x128xbf16, #tpu.memory_space<vmem_shared>> -> memref<10000x128xbf16, #tpu.memory_space<vmem_shared>>
        tpu.wait_indirect_dma semaphore(%run_scoped3A_102 : memref<!tpu.dma_semaphore, #tpu.memory_space<semaphore_mem>>) src(%arg9 : memref<80x128xbf16, #tpu.memory_space<vmem>>) dst(%dma_wait3A_114 : memref<10000x128xbf16, #tpu.memory_space<vmem_shared>>)
        tpu.yield
      }) : () -> ()
      %dma_start3A_96 = arith.constant 0 : i32
      %dma_start3A_97 = tpu.memref_slice %arg7[%min3A_89, %dma_start3A_96] : memref<125x80xi32, #tpu.memory_space<vmem>> -> memref<1x80xi32, #tpu.memory_space<vmem>>
      %dma_start3A_98 = tpu.memref_squeeze %dma_start3A_97 : memref<1x80xi32, #tpu.memory_space<vmem>> -> memref<80xi32, #tpu.memory_space<vmem>>
      %dma_start3A_99 = arith.constant 0 : i32
      %dma_start3A_100 = arith.constant 0 : i32
      %dma_start3A_101 = tpu.memref_slice %arg4[%dma_start3A_99, %dma_start3A_100] : memref<10000x128xbf16, #tpu.memory_space<hbm>> -> memref<10000x128xbf16, #tpu.memory_space<hbm>>
      tpu.enqueue_indirect_dma source(%dma_start3A_101 : memref<10000x128xbf16, #tpu.memory_space<hbm>>) target(%arg9 : memref<80x128xbf16, #tpu.memory_space<vmem>>) offsets(%dma_start3A_98 : memref<80xi32, #tpu.memory_space<vmem>>) semaphore(%arg13 : memref<!tpu.dma_semaphore, #tpu.memory_space<semaphore_mem>>)
    }
    %scan3A_45 = arith.constant 62 : i32
    %dma_wait3A = arith.constant 124 : i32
    %dma_wait3A_46 = arith.constant 0 : i32
    %dma_wait3A_47 = tpu.memref_slice %arg7[%dma_wait3A, %dma_wait3A_46] : memref<125x80xi32, #tpu.memory_space<vmem>> -> memref<1x80xi32, #tpu.memory_space<vmem>>
    %dma_wait3A_48 = tpu.memref_squeeze %dma_wait3A_47 : memref<1x80xi32, #tpu.memory_space<vmem>> -> memref<80xi32, #tpu.memory_space<vmem>>
    %dma_wait3A_49 = arith.constant 0 : i32
    %dma_wait3A_50 = arith.constant 0 : i32
    %dma_wait3A_51 = tpu.memref_slice %arg4[%dma_wait3A_49, %dma_wait3A_50] : memref<10000x128xbf16, #tpu.memory_space<hbm>> -> memref<10000x128xbf16, #tpu.memory_space<hbm>>
    tpu.wait_indirect_dma semaphore(%arg12 : memref<!tpu.dma_semaphore, #tpu.memory_space<semaphore_mem>>) src(%dma_wait3A_51 : memref<10000x128xbf16, #tpu.memory_space<hbm>>) dst(%arg8 : memref<80x128xbf16, #tpu.memory_space<vmem>>)
    %run_scoped3A = arith.constant 124 : i32
    "tpu.region"() ({
      %run_scoped3A_64 = tpu.sem_alloc : memref<!tpu.dma_semaphore, #tpu.memory_space<semaphore_mem>>
      %dma_start3A_65 = arith.constant 0 : i32
      %dma_start3A_66 = tpu.memref_slice %arg6[%run_scoped3A, %dma_start3A_65] : memref<125x80xi32, #tpu.memory_space<vmem>> -> memref<1x80xi32, #tpu.memory_space<vmem>>
      %dma_start3A_67 = tpu.memref_squeeze %dma_start3A_66 : memref<1x80xi32, #tpu.memory_space<vmem>> -> memref<80xi32, #tpu.memory_space<vmem>>
      %dma_start3A_68 = arith.constant 0 : i32
      %dma_start3A_69 = arith.constant 0 : i32
      %dma_start3A_70 = tpu.memref_slice %arg11[%dma_start3A_68, %dma_start3A_69] : memref<10000x128xbf16, #tpu.memory_space<vmem_shared>> -> memref<10000x128xbf16, #tpu.memory_space<vmem_shared>>
      tpu.enqueue_indirect_dma source(%arg8 : memref<80x128xbf16, #tpu.memory_space<vmem>>) target(%dma_start3A_70 : memref<10000x128xbf16, #tpu.memory_space<vmem_shared>>) offsets(%dma_start3A_67 : memref<80xi32, #tpu.memory_space<vmem>>) semaphore(%run_scoped3A_64 : memref<!tpu.dma_semaphore, #tpu.memory_space<semaphore_mem>>) {add = true}
      %dma_wait3A_71 = arith.constant 0 : i32
      %dma_wait3A_72 = tpu.memref_slice %arg6[%run_scoped3A, %dma_wait3A_71] : memref<125x80xi32, #tpu.memory_space<vmem>> -> memref<1x80xi32, #tpu.memory_space<vmem>>
      %dma_wait3A_73 = tpu.memref_squeeze %dma_wait3A_72 : memref<1x80xi32, #tpu.memory_space<vmem>> -> memref<80xi32, #tpu.memory_space<vmem>>
      %dma_wait3A_74 = arith.constant 0 : i32
      %dma_wait3A_75 = arith.constant 0 : i32
      %dma_wait3A_76 = tpu.memref_slice %arg11[%dma_wait3A_74, %dma_wait3A_75] : memref<10000x128xbf16, #tpu.memory_space<vmem_shared>> -> memref<10000x128xbf16, #tpu.memory_space<vmem_shared>>
      tpu.wait_indirect_dma semaphore(%run_scoped3A_64 : memref<!tpu.dma_semaphore, #tpu.memory_space<semaphore_mem>>) src(%arg8 : memref<80x128xbf16, #tpu.memory_space<vmem>>) dst(%dma_wait3A_76 : memref<10000x128xbf16, #tpu.memory_space<vmem_shared>>)
      tpu.yield
    }) : () -> ()
    %dma_wait3A_52 = arith.constant 124 : i32
    %dma_wait3A_53 = arith.constant 0 : i32
    %dma_wait3A_54 = tpu.memref_slice %arg7[%dma_wait3A_52, %dma_wait3A_53] : memref<125x80xi32, #tpu.memory_space<vmem>> -> memref<1x80xi32, #tpu.memory_space<vmem>>
    %dma_wait3A_55 = tpu.memref_squeeze %dma_wait3A_54 : memref<1x80xi32, #tpu.memory_space<vmem>> -> memref<80xi32, #tpu.memory_space<vmem>>
    %dma_wait3A_56 = arith.constant 0 : i32
    %dma_wait3A_57 = arith.constant 0 : i32
    %dma_wait3A_58 = tpu.memref_slice %arg4[%dma_wait3A_56, %dma_wait3A_57] : memref<10000x128xbf16, #tpu.memory_space<hbm>> -> memref<10000x128xbf16, #tpu.memory_space<hbm>>
    tpu.wait_indirect_dma semaphore(%arg13 : memref<!tpu.dma_semaphore, #tpu.memory_space<semaphore_mem>>) src(%dma_wait3A_58 : memref<10000x128xbf16, #tpu.memory_space<hbm>>) dst(%arg9 : memref<80x128xbf16, #tpu.memory_space<vmem>>)
    %barrier3A_59 = arith.constant 0 : index
    tpu.barrier barrier_id(%barrier3A_59)
    %mul3A_60 = arith.constant 625 : i32
    %mul3A_61 = arith.muli %arg1, %mul3A_60 : i32
    %mul3A_62 = arith.constant 625 : i32
    %mul3A_63 = arith.muli %arg1, %mul3A_62 : i32
    "tpu.region"() ({
      %run_scoped3A_64 = tpu.sem_alloc : memref<!tpu.dma_semaphore, #tpu.memory_space<semaphore_mem>>
      %dma_start3A_65 = arith.constant 0 : i32
      %dma_start3A_66 = tpu.memref_slice %arg5[%arg0, %mul3A_63, %dma_start3A_65] : memref<2x10000x128xbf16, #tpu.memory_space<hbm>> -> memref<1x625x128xbf16, #tpu.memory_space<hbm>>
      %dma_start3A_67 = tpu.memref_squeeze %dma_start3A_66 : memref<1x625x128xbf16, #tpu.memory_space<hbm>> -> memref<625x128xbf16, #tpu.memory_space<hbm>>
      %dma_start3A_68 = arith.constant 0 : i32
      %dma_start3A_69 = tpu.memref_slice %arg11[%mul3A_61, %dma_start3A_68] : memref<10000x128xbf16, #tpu.memory_space<vmem_shared>> -> memref<625x128xbf16, #tpu.memory_space<vmem_shared>>
      tpu.enqueue_dma source(%dma_start3A_69 : memref<625x128xbf16, #tpu.memory_space<vmem_shared>>) target(%dma_start3A_67 : memref<625x128xbf16, #tpu.memory_space<hbm>>) target_semaphore(%run_scoped3A_64 : memref<!tpu.dma_semaphore, #tpu.memory_space<semaphore_mem>>)
      %dma_wait3A_70 = arith.constant 0 : i32
      %dma_wait3A_71 = tpu.memref_slice %arg5[%arg0, %mul3A_63, %dma_wait3A_70] : memref<2x10000x128xbf16, #tpu.memory_space<hbm>> -> memref<1x625x128xbf16, #tpu.memory_space<hbm>>
      %dma_wait3A_72 = tpu.memref_squeeze %dma_wait3A_71 : memref<1x625x128xbf16, #tpu.memory_space<hbm>> -> memref<625x128xbf16, #tpu.memory_space<hbm>>
      %dma_wait3A_73 = arith.constant 0 : i32
      %dma_wait3A_74 = tpu.memref_slice %arg11[%mul3A_61, %dma_wait3A_73] : memref<10000x128xbf16, #tpu.memory_space<vmem_shared>> -> memref<625x128xbf16, #tpu.memory_space<vmem_shared>>
      tpu.wait_dma2 semaphore(%run_scoped3A_64 : memref<!tpu.dma_semaphore, #tpu.memory_space<semaphore_mem>>) src(%dma_wait3A_74 : memref<625x128xbf16, #tpu.memory_space<vmem_shared>>) dst(%dma_wait3A_72 : memref<625x128xbf16, #tpu.memory_space<hbm>>)
      tpu.yield
    }) : () -> ()
    return
  }
}

#map = affine_map<(d0, d1) -> (0, 0)>
module attributes {stable_mosaic.version = 14 : i64} {
  func.func @_hist_cnt(%arg0: i32, %arg1: i32, %arg2: memref<32x10000xi32, #tpu.memory_space<hbm>>, %arg3: memref<32x10000xf32, #tpu.memory_space<hbm>>, %arg4: memref<10000xi32, #tpu.memory_space<vmem>>, %arg5: memref<10000xf32, #tpu.memory_space<vmem>>) attributes {dimension_semantics = [#tpu.dimension_semantics<core_parallel>, #tpu.dimension_semantics<subcore_parallel>], iteration_bounds = array<i64: 2, 16>, scalar_prefetch = 0 : i64, scratch_operands = 2 : i64, tpu.core_type = #tpu.core_type<sc_vector_subcore>, window_params = [{transform_indices = #map}, {transform_indices = #map}]} {
    %mul3A = arith.constant 16 : i32
    %mul3A_0 = arith.muli %arg0, %mul3A : i32
    %add3A = arith.addi %mul3A_0, %arg1 : i32
    "tpu.region"() ({
      %run_scoped3A = tpu.sem_alloc : memref<!tpu.dma_semaphore, #tpu.memory_space<semaphore_mem>>
      %dma_start3A = arith.constant 0 : i32
      %dma_start3A_13 = tpu.memref_slice %arg2[%add3A, %dma_start3A] : memref<32x10000xi32, #tpu.memory_space<hbm>> -> memref<1x10000xi32, #tpu.memory_space<hbm>>
      %dma_start3A_14 = tpu.memref_squeeze %dma_start3A_13 : memref<1x10000xi32, #tpu.memory_space<hbm>> -> memref<10000xi32, #tpu.memory_space<hbm>>
      %dma_start3A_15 = arith.constant 0 : i32
      %dma_start3A_16 = tpu.memref_slice %arg2[%add3A, %dma_start3A_15] : memref<32x10000xi32, #tpu.memory_space<hbm>> -> memref<1x10000xi32, #tpu.memory_space<hbm>>
      %dma_start3A_17 = tpu.memref_squeeze %dma_start3A_16 : memref<1x10000xi32, #tpu.memory_space<hbm>> -> memref<10000xi32, #tpu.memory_space<hbm>>
      tpu.enqueue_dma source(%dma_start3A_17 : memref<10000xi32, #tpu.memory_space<hbm>>) target(%arg4 : memref<10000xi32, #tpu.memory_space<vmem>>) target_semaphore(%run_scoped3A : memref<!tpu.dma_semaphore, #tpu.memory_space<semaphore_mem>>)
      %dma_wait3A = arith.constant 0 : i32
      %dma_wait3A_18 = tpu.memref_slice %arg2[%add3A, %dma_wait3A] : memref<32x10000xi32, #tpu.memory_space<hbm>> -> memref<1x10000xi32, #tpu.memory_space<hbm>>
      %dma_wait3A_19 = tpu.memref_squeeze %dma_wait3A_18 : memref<1x10000xi32, #tpu.memory_space<hbm>> -> memref<10000xi32, #tpu.memory_space<hbm>>
      %dma_wait3A_20 = arith.constant 0 : i32
      %dma_wait3A_21 = tpu.memref_slice %arg2[%add3A, %dma_wait3A_20] : memref<32x10000xi32, #tpu.memory_space<hbm>> -> memref<1x10000xi32, #tpu.memory_space<hbm>>
      %dma_wait3A_22 = tpu.memref_squeeze %dma_wait3A_21 : memref<1x10000xi32, #tpu.memory_space<hbm>> -> memref<10000xi32, #tpu.memory_space<hbm>>
      tpu.wait_dma2 semaphore(%run_scoped3A : memref<!tpu.dma_semaphore, #tpu.memory_space<semaphore_mem>>) src(%dma_wait3A_22 : memref<10000xi32, #tpu.memory_space<hbm>>) dst(%arg4 : memref<10000xi32, #tpu.memory_space<vmem>>)
      tpu.yield
    }) : () -> ()
    %scan3A = arith.constant 0 : i32
    %scan3A_1 = arith.constant 0 : i32
    %scan3A_2 = arith.constant 625 : i32
    %scan3A_3 = arith.addi %scan3A_1, %scan3A_2 : i32
    %scan3A_4 = arith.constant 1 : i32
    scf.for %scan3A_13 = %scan3A_1 to %scan3A_3 step %scan3A_4  : i32 {
      %broadcast_in_dim3A_14 = arith.constant 0.000000e+00 : f32
      %broadcast_in_dim3A_15 = vector.broadcast %broadcast_in_dim3A_14 : f32 to vector<16xf32>
      %mul3A_16 = arith.constant 16 : i32
      %mul3A_17 = arith.muli %scan3A_13, %mul3A_16 : i32
      %swap3A = arith.index_cast %mul3A_17 : i32 to index
      %swap3A_18 = tpu.vector_load %arg5[%swap3A] {strides = array<i32>} : memref<10000xf32, #tpu.memory_space<vmem>>, vector<16xf32>,
      tpu.vector_store %arg5[%swap3A], %broadcast_in_dim3A_15 {strides = array<i32>} : memref<10000xf32, #tpu.memory_space<vmem>>, vector<16xf32>,
    }
    %scan3A_5 = arith.constant 625 : i32
    %broadcast_in_dim3A = arith.constant 1.000000e+00 : f32
    %broadcast_in_dim3A_6 = vector.broadcast %broadcast_in_dim3A : f32 to vector<16xf32>
    %scan3A_7 = arith.constant 0 : i32
    %scan3A_8 = arith.constant 0 : i32
    %scan3A_9 = arith.constant 625 : i32
    %scan3A_10 = arith.addi %scan3A_8, %scan3A_9 : i32
    %scan3A_11 = arith.constant 1 : i32
    scf.for %scan3A_13 = %scan3A_8 to %scan3A_10 step %scan3A_11  : i32 {
      %mul3A_14 = arith.constant 16 : i32
      %mul3A_15 = arith.muli %scan3A_13, %mul3A_14 : i32
      %get3A = arith.index_cast %mul3A_15 : i32 to index
      %get3A_16 = tpu.vector_load %arg4[%get3A] {strides = array<i32>} : memref<10000xi32, #tpu.memory_space<vmem>>, vector<16xi32>,
      tpu.vector_store_idx %arg5[%get3A_16], %broadcast_in_dim3A_6 {add = true} : memref<10000xf32, #tpu.memory_space<vmem>>[vector<16xi32>], vector<16xf32>,
    }
    %scan3A_12 = arith.constant 625 : i32
    "tpu.region"() ({
      %run_scoped3A = tpu.sem_alloc : memref<!tpu.dma_semaphore, #tpu.memory_space<semaphore_mem>>
      %dma_start3A = arith.constant 0 : i32
      %dma_start3A_13 = tpu.memref_slice %arg3[%add3A, %dma_start3A] : memref<32x10000xf32, #tpu.memory_space<hbm>> -> memref<1x10000xf32, #tpu.memory_space<hbm>>
      %dma_start3A_14 = tpu.memref_squeeze %dma_start3A_13 : memref<1x10000xf32, #tpu.memory_space<hbm>> -> memref<10000xf32, #tpu.memory_space<hbm>>
      %dma_start3A_15 = arith.constant 0 : i32
      %dma_start3A_16 = tpu.memref_slice %arg3[%add3A, %dma_start3A_15] : memref<32x10000xf32, #tpu.memory_space<hbm>> -> memref<1x10000xf32, #tpu.memory_space<hbm>>
      %dma_start3A_17 = tpu.memref_squeeze %dma_start3A_16 : memref<1x10000xf32, #tpu.memory_space<hbm>> -> memref<10000xf32, #tpu.memory_space<hbm>>
      tpu.enqueue_dma source(%arg5 : memref<10000xf32, #tpu.memory_space<vmem>>) target(%dma_start3A_17 : memref<10000xf32, #tpu.memory_space<hbm>>) target_semaphore(%run_scoped3A : memref<!tpu.dma_semaphore, #tpu.memory_space<semaphore_mem>>)
      %dma_wait3A = arith.constant 0 : i32
      %dma_wait3A_18 = tpu.memref_slice %arg3[%add3A, %dma_wait3A] : memref<32x10000xf32, #tpu.memory_space<hbm>> -> memref<1x10000xf32, #tpu.memory_space<hbm>>
      %dma_wait3A_19 = tpu.memref_squeeze %dma_wait3A_18 : memref<1x10000xf32, #tpu.memory_space<hbm>> -> memref<10000xf32, #tpu.memory_space<hbm>>
      %dma_wait3A_20 = arith.constant 0 : i32
      %dma_wait3A_21 = tpu.memref_slice %arg3[%add3A, %dma_wait3A_20] : memref<32x10000xf32, #tpu.memory_space<hbm>> -> memref<1x10000xf32, #tpu.memory_space<hbm>>
      %dma_wait3A_22 = tpu.memref_squeeze %dma_wait3A_21 : memref<1x10000xf32, #tpu.memory_space<hbm>> -> memref<10000xf32, #tpu.memory_space<hbm>>
      tpu.wait_dma2 semaphore(%run_scoped3A : memref<!tpu.dma_semaphore, #tpu.memory_space<semaphore_mem>>) src(%arg5 : memref<10000xf32, #tpu.memory_space<vmem>>) dst(%dma_wait3A_22 : memref<10000xf32, #tpu.memory_space<hbm>>)
      tpu.yield
    }) : () -> ()
    return
  }
}

#map = affine_map<(d0, d1) -> (0, 0, 0, 0)>
#map1 = affine_map<(d0, d1) -> (0, 0)>
#map2 = affine_map<(d0, d1) -> (0)>
#map3 = affine_map<(d0, d1) -> (0, 0, 0)>
module attributes {stable_mosaic.version = 14 : i64} {
  func.func @spmm(%arg0: i32, %arg1: i32, %arg2: memref<2x16x125x80xi32, #tpu.memory_space<hbm>>, %arg3: memref<2x16x125x80xi32, #tpu.memory_space<hbm>>, %arg4: memref<10000x128xbf16, #tpu.memory_space<hbm>>, %arg5: memref<10000xf32, #tpu.memory_space<hbm>>, %arg6: memref<2x10000x128xbf16, #tpu.memory_space<hbm>>, %arg7: memref<32x10000xf32, #tpu.memory_space<hbm>>, %arg8: memref<125x80xi32, #tpu.memory_space<vmem>>, %arg9: memref<125x80xi32, #tpu.memory_space<vmem>>, %arg10: memref<80x128xbf16, #tpu.memory_space<vmem>>, %arg11: memref<80x128xbf16, #tpu.memory_space<vmem>>, %arg12: memref<125x128xbf16, #tpu.memory_space<vmem>>, %arg13: memref<10000x128xbf16, #tpu.memory_space<vmem_shared>>, %arg14: memref<!tpu.dma_semaphore, #tpu.memory_space<semaphore_mem>>, %arg15: memref<!tpu.dma_semaphore, #tpu.memory_space<semaphore_mem>>, %arg16: memref<10000xf32, #tpu.memory_space<vmem>>, %arg17: memref<10000xf32, #tpu.memory_space<vmem>>) attributes {dimension_semantics = [#tpu.dimension_semantics<core_parallel>, #tpu.dimension_semantics<subcore_parallel>], iteration_bounds = array<i64: 2, 16>, scalar_prefetch = 0 : i64, scratch_operands = 10 : i64, tpu.core_type = #tpu.core_type<sc_vector_subcore>, window_params = [{transform_indices = #map}, {transform_indices = #map}, {transform_indices = #map1}, {transform_indices = #map2}, {transform_indices = #map3}, {transform_indices = #map1}]} {
    %mul3A = arith.constant 16 : i32
    %mul3A_0 = arith.muli %arg0, %mul3A : i32
    %add3A = arith.addi %mul3A_0, %arg1 : i32
    "tpu.region"() ({
      %run_scoped3A_76 = tpu.sem_alloc : memref<!tpu.dma_semaphore, #tpu.memory_space<semaphore_mem>>
      %dma_start3A_77 = arith.constant 0 : i32
      %dma_start3A_78 = arith.constant 0 : i32
      %dma_start3A_79 = tpu.memref_slice %arg2[%arg0, %arg1, %dma_start3A_77, %dma_start3A_78] : memref<2x16x125x80xi32, #tpu.memory_space<hbm>> -> memref<1x1x125x80xi32, #tpu.memory_space<hbm>>
      %dma_start3A_80 = tpu.memref_squeeze %dma_start3A_79 : memref<1x1x125x80xi32, #tpu.memory_space<hbm>> -> memref<125x80xi32, #tpu.memory_space<hbm>>
      %dma_start3A_81 = arith.constant 0 : i32
      %dma_start3A_82 = arith.constant 0 : i32
      %dma_start3A_83 = tpu.memref_slice %arg2[%arg0, %arg1, %dma_start3A_81, %dma_start3A_82] : memref<2x16x125x80xi32, #tpu.memory_space<hbm>> -> memref<1x1x125x80xi32, #tpu.memory_space<hbm>>
      %dma_start3A_84 = tpu.memref_squeeze %dma_start3A_83 : memref<1x1x125x80xi32, #tpu.memory_space<hbm>> -> memref<125x80xi32, #tpu.memory_space<hbm>>
      tpu.enqueue_dma source(%dma_start3A_84 : memref<125x80xi32, #tpu.memory_space<hbm>>) target(%arg8 : memref<125x80xi32, #tpu.memory_space<vmem>>) target_semaphore(%run_scoped3A_76 : memref<!tpu.dma_semaphore, #tpu.memory_space<semaphore_mem>>)
      %dma_wait3A_85 = arith.constant 0 : i32
      %dma_wait3A_86 = arith.constant 0 : i32
      %dma_wait3A_87 = tpu.memref_slice %arg2[%arg0, %arg1, %dma_wait3A_85, %dma_wait3A_86] : memref<2x16x125x80xi32, #tpu.memory_space<hbm>> -> memref<1x1x125x80xi32, #tpu.memory_space<hbm>>
      %dma_wait3A_88 = tpu.memref_squeeze %dma_wait3A_87 : memref<1x1x125x80xi32, #tpu.memory_space<hbm>> -> memref<125x80xi32, #tpu.memory_space<hbm>>
      %dma_wait3A_89 = arith.constant 0 : i32
      %dma_wait3A_90 = arith.constant 0 : i32
      %dma_wait3A_91 = tpu.memref_slice %arg2[%arg0, %arg1, %dma_wait3A_89, %dma_wait3A_90] : memref<2x16x125x80xi32, #tpu.memory_space<hbm>> -> memref<1x1x125x80xi32, #tpu.memory_space<hbm>>
      %dma_wait3A_92 = tpu.memref_squeeze %dma_wait3A_91 : memref<1x1x125x80xi32, #tpu.memory_space<hbm>> -> memref<125x80xi32, #tpu.memory_space<hbm>>
      tpu.wait_dma2 semaphore(%run_scoped3A_76 : memref<!tpu.dma_semaphore, #tpu.memory_space<semaphore_mem>>) src(%dma_wait3A_92 : memref<125x80xi32, #tpu.memory_space<hbm>>) dst(%arg8 : memref<125x80xi32, #tpu.memory_space<vmem>>)
      tpu.yield
    }) : () -> ()
    "tpu.region"() ({
      %run_scoped3A_76 = tpu.sem_alloc : memref<!tpu.dma_semaphore, #tpu.memory_space<semaphore_mem>>
      %dma_start3A_77 = arith.constant 0 : i32
      %dma_start3A_78 = arith.constant 0 : i32
      %dma_start3A_79 = tpu.memref_slice %arg3[%arg0, %arg1, %dma_start3A_77, %dma_start3A_78] : memref<2x16x125x80xi32, #tpu.memory_space<hbm>> -> memref<1x1x125x80xi32, #tpu.memory_space<hbm>>
      %dma_start3A_80 = tpu.memref_squeeze %dma_start3A_79 : memref<1x1x125x80xi32, #tpu.memory_space<hbm>> -> memref<125x80xi32, #tpu.memory_space<hbm>>
      %dma_start3A_81 = arith.constant 0 : i32
      %dma_start3A_82 = arith.constant 0 : i32
      %dma_start3A_83 = tpu.memref_slice %arg3[%arg0, %arg1, %dma_start3A_81, %dma_start3A_82] : memref<2x16x125x80xi32, #tpu.memory_space<hbm>> -> memref<1x1x125x80xi32, #tpu.memory_space<hbm>>
      %dma_start3A_84 = tpu.memref_squeeze %dma_start3A_83 : memref<1x1x125x80xi32, #tpu.memory_space<hbm>> -> memref<125x80xi32, #tpu.memory_space<hbm>>
      tpu.enqueue_dma source(%dma_start3A_84 : memref<125x80xi32, #tpu.memory_space<hbm>>) target(%arg9 : memref<125x80xi32, #tpu.memory_space<vmem>>) target_semaphore(%run_scoped3A_76 : memref<!tpu.dma_semaphore, #tpu.memory_space<semaphore_mem>>)
      %dma_wait3A_85 = arith.constant 0 : i32
      %dma_wait3A_86 = arith.constant 0 : i32
      %dma_wait3A_87 = tpu.memref_slice %arg3[%arg0, %arg1, %dma_wait3A_85, %dma_wait3A_86] : memref<2x16x125x80xi32, #tpu.memory_space<hbm>> -> memref<1x1x125x80xi32, #tpu.memory_space<hbm>>
      %dma_wait3A_88 = tpu.memref_squeeze %dma_wait3A_87 : memref<1x1x125x80xi32, #tpu.memory_space<hbm>> -> memref<125x80xi32, #tpu.memory_space<hbm>>
      %dma_wait3A_89 = arith.constant 0 : i32
      %dma_wait3A_90 = arith.constant 0 : i32
      %dma_wait3A_91 = tpu.memref_slice %arg3[%arg0, %arg1, %dma_wait3A_89, %dma_wait3A_90] : memref<2x16x125x80xi32, #tpu.memory_space<hbm>> -> memref<1x1x125x80xi32, #tpu.memory_space<hbm>>
      %dma_wait3A_92 = tpu.memref_squeeze %dma_wait3A_91 : memref<1x1x125x80xi32, #tpu.memory_space<hbm>> -> memref<125x80xi32, #tpu.memory_space<hbm>>
      tpu.wait_dma2 semaphore(%run_scoped3A_76 : memref<!tpu.dma_semaphore, #tpu.memory_space<semaphore_mem>>) src(%dma_wait3A_92 : memref<125x80xi32, #tpu.memory_space<hbm>>) dst(%arg9 : memref<125x80xi32, #tpu.memory_space<vmem>>)
      tpu.yield
    }) : () -> ()
    "tpu.region"() ({
      %run_scoped3A_76 = tpu.sem_alloc : memref<!tpu.dma_semaphore, #tpu.memory_space<semaphore_mem>>
      tpu.enqueue_dma source(%arg5 : memref<10000xf32, #tpu.memory_space<hbm>>) target(%arg16 : memref<10000xf32, #tpu.memory_space<vmem>>) target_semaphore(%run_scoped3A_76 : memref<!tpu.dma_semaphore, #tpu.memory_space<semaphore_mem>>)
      tpu.wait_dma2 semaphore(%run_scoped3A_76 : memref<!tpu.dma_semaphore, #tpu.memory_space<semaphore_mem>>) src(%arg5 : memref<10000xf32, #tpu.memory_space<hbm>>) dst(%arg16 : memref<10000xf32, #tpu.memory_space<vmem>>)
      tpu.yield
    }) : () -> ()
    %scan3A = arith.constant 0 : i32
    %scan3A_1 = arith.constant 0 : i32
    %scan3A_2 = arith.constant 625 : i32
    %scan3A_3 = arith.addi %scan3A_1, %scan3A_2 : i32
    %scan3A_4 = arith.constant 1 : i32
    scf.for %scan3A_76 = %scan3A_1 to %scan3A_3 step %scan3A_4  : i32 {
      %broadcast_in_dim3A_77 = arith.constant 0.000000e+00 : f32
      %broadcast_in_dim3A_78 = vector.broadcast %broadcast_in_dim3A_77 : f32 to vector<16xf32>
      %mul3A_79 = arith.constant 16 : i32
      %mul3A_80 = arith.muli %scan3A_76, %mul3A_79 : i32
      %swap3A = arith.index_cast %mul3A_80 : i32 to index
      %swap3A_81 = tpu.vector_load %arg17[%swap3A] {strides = array<i32>} : memref<10000xf32, #tpu.memory_space<vmem>>, vector<16xf32>,
      tpu.vector_store %arg17[%swap3A], %broadcast_in_dim3A_78 {strides = array<i32>} : memref<10000xf32, #tpu.memory_space<vmem>>, vector<16xf32>,
    }
    %scan3A_5 = arith.constant 625 : i32
    %broadcast_in_dim3A = arith.constant 0.000000e+00 : bf16
    %broadcast_in_dim3A_6 = vector.broadcast %broadcast_in_dim3A : bf16 to vector<32xbf16>
    %scan3A_7 = arith.constant 0 : i32
    %scan3A_8 = arith.constant 0 : i32
    %scan3A_9 = arith.constant 500 : i32
    %scan3A_10 = arith.addi %scan3A_8, %scan3A_9 : i32
    %scan3A_11 = arith.constant 1 : i32
    scf.for %scan3A_76 = %scan3A_8 to %scan3A_10 step %scan3A_11  : i32 {
      %jit3A = arith.constant 4 : i32
      %div3A = arith.divsi %scan3A_76, %jit3A : i32
      %sign3A = arith.constant 0 : i32
      %sign3A_77 = arith.cmpi sgt, %scan3A_76, %sign3A : i32
      %sign3A_78 = arith.extui %sign3A_77 : i1 to i32
      %sign3A_79 = arith.constant 0 : i32
      %sign3A_80 = arith.cmpi slt, %scan3A_76, %sign3A_79 : i32
      %sign3A_81 = arith.extui %sign3A_80 : i1 to i32
      %sign3A_82 = arith.subi %sign3A_78, %sign3A_81 : i32
      %sign3A_83 = arith.constant 0 : i32
      %sign3A_84 = arith.cmpi sgt, %jit3A, %sign3A_83 : i32
      %sign3A_85 = arith.extui %sign3A_84 : i1 to i32
      %sign3A_86 = arith.constant 0 : i32
      %sign3A_87 = arith.cmpi slt, %jit3A, %sign3A_86 : i32
      %sign3A_88 = arith.extui %sign3A_87 : i1 to i32
      %sign3A_89 = arith.subi %sign3A_85, %sign3A_88 : i32
      %ne3A = arith.cmpi ne, %sign3A_82, %sign3A_89 : i32
      %rem3A = arith.remsi %scan3A_76, %jit3A : i32
      %ne3A_90 = arith.constant 0 : i32
      %ne3A_91 = arith.cmpi ne, %rem3A, %ne3A_90 : i32
      %and3A = arith.andi %ne3A, %ne3A_91 : i1
      %sub3A = arith.constant 1 : i32
      %sub3A_92 = arith.subi %div3A, %sub3A : i32
      %select_n3A = arith.select %and3A, %sub3A_92, %div3A : i32
      %jit3A_93 = arith.constant 4 : i32
      %eq3A = arith.constant 0 : i32
      %eq3A_94 = arith.cmpi eq, %jit3A_93, %eq3A : i32
      %jit3A_95 = arith.constant 1 : i32
      %select_n3A_96 = arith.select %eq3A_94, %jit3A_95, %jit3A_93 : i32
      %rem3A_97 = arith.remsi %scan3A_76, %select_n3A_96 : i32
      %ne3A_98 = arith.constant 0 : i32
      %ne3A_99 = arith.cmpi ne, %rem3A_97, %ne3A_98 : i32
      %lt3A = arith.constant 0 : i32
      %lt3A_100 = arith.cmpi slt, %rem3A_97, %lt3A : i32
      %lt3A_101 = arith.constant 0 : i32
      %lt3A_102 = arith.cmpi slt, %select_n3A_96, %lt3A_101 : i32
      %ne3A_103 = arith.xori %lt3A_100, %lt3A_102 : i1
      %and3A_104 = arith.andi %ne3A_103, %ne3A_99 : i1
      %add3A_105 = arith.addi %rem3A_97, %select_n3A_96 : i32
      %select_n3A_106 = arith.select %and3A_104, %add3A_105, %rem3A_97 : i32
      %mul3A_107 = arith.constant 32 : i32
      %mul3A_108 = arith.muli %select_n3A_106, %mul3A_107 : i32
      %swap3A = arith.index_cast %select_n3A : i32 to index
      %swap3A_109 = arith.index_cast %mul3A_108 : i32 to index
      %swap3A_110 = tpu.vector_load %arg12[%swap3A, %swap3A_109] {strides = array<i32>} : memref<125x128xbf16, #tpu.memory_space<vmem>>, vector<32xbf16>,
      tpu.vector_store %arg12[%swap3A, %swap3A_109], %broadcast_in_dim3A_6 {strides = array<i32>} : memref<125x128xbf16, #tpu.memory_space<vmem>>, vector<32xbf16>,
    }
    %scan3A_12 = arith.constant 500 : i32
    %mul3A_13 = arith.constant 625 : i32
    %mul3A_14 = arith.muli %arg1, %mul3A_13 : i32
    %add3A_15 = arith.constant 0 : i32
    %add3A_16 = arith.addi %mul3A_14, %add3A_15 : i32
    "tpu.region"() ({
      %run_scoped3A_76 = tpu.sem_alloc : memref<!tpu.dma_semaphore, #tpu.memory_space<semaphore_mem>>
      %dma_start3A_77 = arith.constant 0 : i32
      %dma_start3A_78 = tpu.memref_slice %arg13[%add3A_16, %dma_start3A_77] : memref<10000x128xbf16, #tpu.memory_space<vmem_shared>> -> memref<125x128xbf16, #tpu.memory_space<vmem_shared>>
      %dma_start3A_79 = arith.constant 0 : i32
      %dma_start3A_80 = tpu.memref_slice %arg13[%add3A_16, %dma_start3A_79] : memref<10000x128xbf16, #tpu.memory_space<vmem_shared>> -> memref<125x128xbf16, #tpu.memory_space<vmem_shared>>
      tpu.enqueue_dma source(%arg12 : memref<125x128xbf16, #tpu.memory_space<vmem>>) target(%dma_start3A_80 : memref<125x128xbf16, #tpu.memory_space<vmem_shared>>) target_semaphore(%run_scoped3A_76 : memref<!tpu.dma_semaphore, #tpu.memory_space<semaphore_mem>>)
      %dma_wait3A_81 = arith.constant 0 : i32
      %dma_wait3A_82 = tpu.memref_slice %arg13[%add3A_16, %dma_wait3A_81] : memref<10000x128xbf16, #tpu.memory_space<vmem_shared>> -> memref<125x128xbf16, #tpu.memory_space<vmem_shared>>
      %dma_wait3A_83 = arith.constant 0 : i32
      %dma_wait3A_84 = tpu.memref_slice %arg13[%add3A_16, %dma_wait3A_83] : memref<10000x128xbf16, #tpu.memory_space<vmem_shared>> -> memref<125x128xbf16, #tpu.memory_space<vmem_shared>>
      tpu.wait_dma2 semaphore(%run_scoped3A_76 : memref<!tpu.dma_semaphore, #tpu.memory_space<semaphore_mem>>) src(%arg12 : memref<125x128xbf16, #tpu.memory_space<vmem>>) dst(%dma_wait3A_84 : memref<125x128xbf16, #tpu.memory_space<vmem_shared>>)
      tpu.yield
    }) : () -> ()
    %mul3A_17 = arith.constant 625 : i32
    %mul3A_18 = arith.muli %arg1, %mul3A_17 : i32
    %add3A_19 = arith.constant 125 : i32
    %add3A_20 = arith.addi %mul3A_18, %add3A_19 : i32
    "tpu.region"() ({
      %run_scoped3A_76 = tpu.sem_alloc : memref<!tpu.dma_semaphore, #tpu.memory_space<semaphore_mem>>
      %dma_start3A_77 = arith.constant 0 : i32
      %dma_start3A_78 = tpu.memref_slice %arg13[%add3A_20, %dma_start3A_77] : memref<10000x128xbf16, #tpu.memory_space<vmem_shared>> -> memref<125x128xbf16, #tpu.memory_space<vmem_shared>>
      %dma_start3A_79 = arith.constant 0 : i32
      %dma_start3A_80 = tpu.memref_slice %arg13[%add3A_20, %dma_start3A_79] : memref<10000x128xbf16, #tpu.memory_space<vmem_shared>> -> memref<125x128xbf16, #tpu.memory_space<vmem_shared>>
      tpu.enqueue_dma source(%arg12 : memref<125x128xbf16, #tpu.memory_space<vmem>>) target(%dma_start3A_80 : memref<125x128xbf16, #tpu.memory_space<vmem_shared>>) target_semaphore(%run_scoped3A_76 : memref<!tpu.dma_semaphore, #tpu.memory_space<semaphore_mem>>)
      %dma_wait3A_81 = arith.constant 0 : i32
      %dma_wait3A_82 = tpu.memref_slice %arg13[%add3A_20, %dma_wait3A_81] : memref<10000x128xbf16, #tpu.memory_space<vmem_shared>> -> memref<125x128xbf16, #tpu.memory_space<vmem_shared>>
      %dma_wait3A_83 = arith.constant 0 : i32
      %dma_wait3A_84 = tpu.memref_slice %arg13[%add3A_20, %dma_wait3A_83] : memref<10000x128xbf16, #tpu.memory_space<vmem_shared>> -> memref<125x128xbf16, #tpu.memory_space<vmem_shared>>
      tpu.wait_dma2 semaphore(%run_scoped3A_76 : memref<!tpu.dma_semaphore, #tpu.memory_space<semaphore_mem>>) src(%arg12 : memref<125x128xbf16, #tpu.memory_space<vmem>>) dst(%dma_wait3A_84 : memref<125x128xbf16, #tpu.memory_space<vmem_shared>>)
      tpu.yield
    }) : () -> ()
    %mul3A_21 = arith.constant 625 : i32
    %mul3A_22 = arith.muli %arg1, %mul3A_21 : i32
    %add3A_23 = arith.constant 250 : i32
    %add3A_24 = arith.addi %mul3A_22, %add3A_23 : i32
    "tpu.region"() ({
      %run_scoped3A_76 = tpu.sem_alloc : memref<!tpu.dma_semaphore, #tpu.memory_space<semaphore_mem>>
      %dma_start3A_77 = arith.constant 0 : i32
      %dma_start3A_78 = tpu.memref_slice %arg13[%add3A_24, %dma_start3A_77] : memref<10000x128xbf16, #tpu.memory_space<vmem_shared>> -> memref<125x128xbf16, #tpu.memory_space<vmem_shared>>
      %dma_start3A_79 = arith.constant 0 : i32
      %dma_start3A_80 = tpu.memref_slice %arg13[%add3A_24, %dma_start3A_79] : memref<10000x128xbf16, #tpu.memory_space<vmem_shared>> -> memref<125x128xbf16, #tpu.memory_space<vmem_shared>>
      tpu.enqueue_dma source(%arg12 : memref<125x128xbf16, #tpu.memory_space<vmem>>) target(%dma_start3A_80 : memref<125x128xbf16, #tpu.memory_space<vmem_shared>>) target_semaphore(%run_scoped3A_76 : memref<!tpu.dma_semaphore, #tpu.memory_space<semaphore_mem>>)
      %dma_wait3A_81 = arith.constant 0 : i32
      %dma_wait3A_82 = tpu.memref_slice %arg13[%add3A_24, %dma_wait3A_81] : memref<10000x128xbf16, #tpu.memory_space<vmem_shared>> -> memref<125x128xbf16, #tpu.memory_space<vmem_shared>>
      %dma_wait3A_83 = arith.constant 0 : i32
      %dma_wait3A_84 = tpu.memref_slice %arg13[%add3A_24, %dma_wait3A_83] : memref<10000x128xbf16, #tpu.memory_space<vmem_shared>> -> memref<125x128xbf16, #tpu.memory_space<vmem_shared>>
      tpu.wait_dma2 semaphore(%run_scoped3A_76 : memref<!tpu.dma_semaphore, #tpu.memory_space<semaphore_mem>>) src(%arg12 : memref<125x128xbf16, #tpu.memory_space<vmem>>) dst(%dma_wait3A_84 : memref<125x128xbf16, #tpu.memory_space<vmem_shared>>)
      tpu.yield
    }) : () -> ()
    %mul3A_25 = arith.constant 625 : i32
    %mul3A_26 = arith.muli %arg1, %mul3A_25 : i32
    %add3A_27 = arith.constant 375 : i32
    %add3A_28 = arith.addi %mul3A_26, %add3A_27 : i32
    "tpu.region"() ({
      %run_scoped3A_76 = tpu.sem_alloc : memref<!tpu.dma_semaphore, #tpu.memory_space<semaphore_mem>>
      %dma_start3A_77 = arith.constant 0 : i32
      %dma_start3A_78 = tpu.memref_slice %arg13[%add3A_28, %dma_start3A_77] : memref<10000x128xbf16, #tpu.memory_space<vmem_shared>> -> memref<125x128xbf16, #tpu.memory_space<vmem_shared>>
      %dma_start3A_79 = arith.constant 0 : i32
      %dma_start3A_80 = tpu.memref_slice %arg13[%add3A_28, %dma_start3A_79] : memref<10000x128xbf16, #tpu.memory_space<vmem_shared>> -> memref<125x128xbf16, #tpu.memory_space<vmem_shared>>
      tpu.enqueue_dma source(%arg12 : memref<125x128xbf16, #tpu.memory_space<vmem>>) target(%dma_start3A_80 : memref<125x128xbf16, #tpu.memory_space<vmem_shared>>) target_semaphore(%run_scoped3A_76 : memref<!tpu.dma_semaphore, #tpu.memory_space<semaphore_mem>>)
      %dma_wait3A_81 = arith.constant 0 : i32
      %dma_wait3A_82 = tpu.memref_slice %arg13[%add3A_28, %dma_wait3A_81] : memref<10000x128xbf16, #tpu.memory_space<vmem_shared>> -> memref<125x128xbf16, #tpu.memory_space<vmem_shared>>
      %dma_wait3A_83 = arith.constant 0 : i32
      %dma_wait3A_84 = tpu.memref_slice %arg13[%add3A_28, %dma_wait3A_83] : memref<10000x128xbf16, #tpu.memory_space<vmem_shared>> -> memref<125x128xbf16, #tpu.memory_space<vmem_shared>>
      tpu.wait_dma2 semaphore(%run_scoped3A_76 : memref<!tpu.dma_semaphore, #tpu.memory_space<semaphore_mem>>) src(%arg12 : memref<125x128xbf16, #tpu.memory_space<vmem>>) dst(%dma_wait3A_84 : memref<125x128xbf16, #tpu.memory_space<vmem_shared>>)
      tpu.yield
    }) : () -> ()
    %mul3A_29 = arith.constant 625 : i32
    %mul3A_30 = arith.muli %arg1, %mul3A_29 : i32
    %add3A_31 = arith.constant 500 : i32
    %add3A_32 = arith.addi %mul3A_30, %add3A_31 : i32
    "tpu.region"() ({
      %run_scoped3A_76 = tpu.sem_alloc : memref<!tpu.dma_semaphore, #tpu.memory_space<semaphore_mem>>
      %dma_start3A_77 = arith.constant 0 : i32
      %dma_start3A_78 = tpu.memref_slice %arg13[%add3A_32, %dma_start3A_77] : memref<10000x128xbf16, #tpu.memory_space<vmem_shared>> -> memref<125x128xbf16, #tpu.memory_space<vmem_shared>>
      %dma_start3A_79 = arith.constant 0 : i32
      %dma_start3A_80 = tpu.memref_slice %arg13[%add3A_32, %dma_start3A_79] : memref<10000x128xbf16, #tpu.memory_space<vmem_shared>> -> memref<125x128xbf16, #tpu.memory_space<vmem_shared>>
      tpu.enqueue_dma source(%arg12 : memref<125x128xbf16, #tpu.memory_space<vmem>>) target(%dma_start3A_80 : memref<125x128xbf16, #tpu.memory_space<vmem_shared>>) target_semaphore(%run_scoped3A_76 : memref<!tpu.dma_semaphore, #tpu.memory_space<semaphore_mem>>)
      %dma_wait3A_81 = arith.constant 0 : i32
      %dma_wait3A_82 = tpu.memref_slice %arg13[%add3A_32, %dma_wait3A_81] : memref<10000x128xbf16, #tpu.memory_space<vmem_shared>> -> memref<125x128xbf16, #tpu.memory_space<vmem_shared>>
      %dma_wait3A_83 = arith.constant 0 : i32
      %dma_wait3A_84 = tpu.memref_slice %arg13[%add3A_32, %dma_wait3A_83] : memref<10000x128xbf16, #tpu.memory_space<vmem_shared>> -> memref<125x128xbf16, #tpu.memory_space<vmem_shared>>
      tpu.wait_dma2 semaphore(%run_scoped3A_76 : memref<!tpu.dma_semaphore, #tpu.memory_space<semaphore_mem>>) src(%arg12 : memref<125x128xbf16, #tpu.memory_space<vmem>>) dst(%dma_wait3A_84 : memref<125x128xbf16, #tpu.memory_space<vmem_shared>>)
      tpu.yield
    }) : () -> ()
    %barrier3A = arith.constant 0 : index
    tpu.barrier barrier_id(%barrier3A)
    %dma_start3A = arith.constant 0 : i32
    %dma_start3A_33 = arith.constant 0 : i32
    %dma_start3A_34 = tpu.memref_slice %arg9[%dma_start3A, %dma_start3A_33] : memref<125x80xi32, #tpu.memory_space<vmem>> -> memref<1x80xi32, #tpu.memory_space<vmem>>
    %dma_start3A_35 = tpu.memref_squeeze %dma_start3A_34 : memref<1x80xi32, #tpu.memory_space<vmem>> -> memref<80xi32, #tpu.memory_space<vmem>>
    %dma_start3A_36 = arith.constant 0 : i32
    %dma_start3A_37 = arith.constant 0 : i32
    %dma_start3A_38 = tpu.memref_slice %arg4[%dma_start3A_36, %dma_start3A_37] : memref<10000x128xbf16, #tpu.memory_space<hbm>> -> memref<10000x128xbf16, #tpu.memory_space<hbm>>
    tpu.enqueue_indirect_dma source(%dma_start3A_38 : memref<10000x128xbf16, #tpu.memory_space<hbm>>) target(%arg10 : memref<80x128xbf16, #tpu.memory_space<vmem>>) offsets(%dma_start3A_35 : memref<80xi32, #tpu.memory_space<vmem>>) semaphore(%arg14 : memref<!tpu.dma_semaphore, #tpu.memory_space<semaphore_mem>>)
    %dma_start3A_39 = arith.constant 1 : i32
    %dma_start3A_40 = arith.constant 0 : i32
    %dma_start3A_41 = tpu.memref_slice %arg9[%dma_start3A_39, %dma_start3A_40] : memref<125x80xi32, #tpu.memory_space<vmem>> -> memref<1x80xi32, #tpu.memory_space<vmem>>
    %dma_start3A_42 = tpu.memref_squeeze %dma_start3A_41 : memref<1x80xi32, #tpu.memory_space<vmem>> -> memref<80xi32, #tpu.memory_space<vmem>>
    %dma_start3A_43 = arith.constant 0 : i32
    %dma_start3A_44 = arith.constant 0 : i32
    %dma_start3A_45 = tpu.memref_slice %arg4[%dma_start3A_43, %dma_start3A_44] : memref<10000x128xbf16, #tpu.memory_space<hbm>> -> memref<10000x128xbf16, #tpu.memory_space<hbm>>
    tpu.enqueue_indirect_dma source(%dma_start3A_45 : memref<10000x128xbf16, #tpu.memory_space<hbm>>) target(%arg11 : memref<80x128xbf16, #tpu.memory_space<vmem>>) offsets(%dma_start3A_42 : memref<80xi32, #tpu.memory_space<vmem>>) semaphore(%arg15 : memref<!tpu.dma_semaphore, #tpu.memory_space<semaphore_mem>>)
    %scan3A_46 = arith.constant 0 : i32
    %scan3A_47 = arith.constant 0 : i32
    %scan3A_48 = arith.constant 62 : i32
    %scan3A_49 = arith.addi %scan3A_47, %scan3A_48 : i32
    %scan3A_50 = arith.constant 1 : i32
    scf.for %scan3A_76 = %scan3A_47 to %scan3A_49 step %scan3A_50  : i32 {
      %mul3A_77 = arith.constant 2 : i32
      %mul3A_78 = arith.muli %mul3A_77, %scan3A_76 : i32
      %mul3A_79 = arith.constant 2 : i32
      %mul3A_80 = arith.muli %mul3A_79, %scan3A_76 : i32
      %add3A_81 = arith.constant 1 : i32
      %add3A_82 = arith.addi %mul3A_80, %add3A_81 : i32
      %add3A_83 = arith.constant 2 : i32
      %add3A_84 = arith.addi %mul3A_78, %add3A_83 : i32
      %min3A = arith.constant 124 : i32
      %min3A_85 = arith.minsi %add3A_84, %min3A : i32
      %dma_wait3A_86 = arith.constant 0 : i32
      %dma_wait3A_87 = tpu.memref_slice %arg9[%mul3A_78, %dma_wait3A_86] : memref<125x80xi32, #tpu.memory_space<vmem>> -> memref<1x80xi32, #tpu.memory_space<vmem>>
      %dma_wait3A_88 = tpu.memref_squeeze %dma_wait3A_87 : memref<1x80xi32, #tpu.memory_space<vmem>> -> memref<80xi32, #tpu.memory_space<vmem>>
      %dma_wait3A_89 = arith.constant 0 : i32
      %dma_wait3A_90 = arith.constant 0 : i32
      %dma_wait3A_91 = tpu.memref_slice %arg4[%dma_wait3A_89, %dma_wait3A_90] : memref<10000x128xbf16, #tpu.memory_space<hbm>> -> memref<10000x128xbf16, #tpu.memory_space<hbm>>
      tpu.wait_indirect_dma semaphore(%arg14 : memref<!tpu.dma_semaphore, #tpu.memory_space<semaphore_mem>>) src(%dma_wait3A_91 : memref<10000x128xbf16, #tpu.memory_space<hbm>>) dst(%arg10 : memref<80x128xbf16, #tpu.memory_space<vmem>>)
      "tpu.region"() ({
        %run_scoped3A_126 = tpu.sem_alloc : memref<!tpu.dma_semaphore, #tpu.memory_space<semaphore_mem>>
        %dma_start3A_127 = arith.constant 0 : i32
        %dma_start3A_128 = tpu.memref_slice %arg8[%mul3A_78, %dma_start3A_127] : memref<125x80xi32, #tpu.memory_space<vmem>> -> memref<1x80xi32, #tpu.memory_space<vmem>>
        %dma_start3A_129 = tpu.memref_squeeze %dma_start3A_128 : memref<1x80xi32, #tpu.memory_space<vmem>> -> memref<80xi32, #tpu.memory_space<vmem>>
        %dma_start3A_130 = arith.constant 0 : i32
        %dma_start3A_131 = arith.constant 0 : i32
        %dma_start3A_132 = tpu.memref_slice %arg13[%dma_start3A_130, %dma_start3A_131] : memref<10000x128xbf16, #tpu.memory_space<vmem_shared>> -> memref<10000x128xbf16, #tpu.memory_space<vmem_shared>>
        tpu.enqueue_indirect_dma source(%arg10 : memref<80x128xbf16, #tpu.memory_space<vmem>>) target(%dma_start3A_132 : memref<10000x128xbf16, #tpu.memory_space<vmem_shared>>) offsets(%dma_start3A_129 : memref<80xi32, #tpu.memory_space<vmem>>) semaphore(%run_scoped3A_126 : memref<!tpu.dma_semaphore, #tpu.memory_space<semaphore_mem>>) {add = true}
        %dma_wait3A_133 = arith.constant 0 : i32
        %dma_wait3A_134 = tpu.memref_slice %arg8[%mul3A_78, %dma_wait3A_133] : memref<125x80xi32, #tpu.memory_space<vmem>> -> memref<1x80xi32, #tpu.memory_space<vmem>>
        %dma_wait3A_135 = tpu.memref_squeeze %dma_wait3A_134 : memref<1x80xi32, #tpu.memory_space<vmem>> -> memref<80xi32, #tpu.memory_space<vmem>>
        %dma_wait3A_136 = arith.constant 0 : i32
        %dma_wait3A_137 = arith.constant 0 : i32
        %dma_wait3A_138 = tpu.memref_slice %arg13[%dma_wait3A_136, %dma_wait3A_137] : memref<10000x128xbf16, #tpu.memory_space<vmem_shared>> -> memref<10000x128xbf16, #tpu.memory_space<vmem_shared>>
        tpu.wait_indirect_dma semaphore(%run_scoped3A_126 : memref<!tpu.dma_semaphore, #tpu.memory_space<semaphore_mem>>) src(%arg10 : memref<80x128xbf16, #tpu.memory_space<vmem>>) dst(%dma_wait3A_138 : memref<10000x128xbf16, #tpu.memory_space<vmem_shared>>)
        tpu.yield
      }) : () -> ()
      %dma_start3A_92 = arith.constant 0 : i32
      %dma_start3A_93 = tpu.memref_slice %arg9[%min3A_85, %dma_start3A_92] : memref<125x80xi32, #tpu.memory_space<vmem>> -> memref<1x80xi32, #tpu.memory_space<vmem>>
      %dma_start3A_94 = tpu.memref_squeeze %dma_start3A_93 : memref<1x80xi32, #tpu.memory_space<vmem>> -> memref<80xi32, #tpu.memory_space<vmem>>
      %dma_start3A_95 = arith.constant 0 : i32
      %dma_start3A_96 = arith.constant 0 : i32
      %dma_start3A_97 = tpu.memref_slice %arg4[%dma_start3A_95, %dma_start3A_96] : memref<10000x128xbf16, #tpu.memory_space<hbm>> -> memref<10000x128xbf16, #tpu.memory_space<hbm>>
      tpu.enqueue_indirect_dma source(%dma_start3A_97 : memref<10000x128xbf16, #tpu.memory_space<hbm>>) target(%arg10 : memref<80x128xbf16, #tpu.memory_space<vmem>>) offsets(%dma_start3A_94 : memref<80xi32, #tpu.memory_space<vmem>>) semaphore(%arg14 : memref<!tpu.dma_semaphore, #tpu.memory_space<semaphore_mem>>)
      %scan3A_98 = arith.constant 0 : i32
      %scan3A_99 = arith.constant 0 : i32
      %scan3A_100 = arith.constant 5 : i32
      %scan3A_101 = arith.addi %scan3A_99, %scan3A_100 : i32
      %scan3A_102 = arith.constant 1 : i32
      scf.for %scan3A_126 = %scan3A_99 to %scan3A_101 step %scan3A_102  : i32 {
        %mul3A_127 = arith.constant 16 : i32
        %mul3A_128 = arith.muli %scan3A_126, %mul3A_127 : i32
        %get3A = arith.index_cast %mul3A_78 : i32 to index
        %get3A_129 = arith.index_cast %mul3A_128 : i32 to index
        %get3A_130 = tpu.vector_load %arg8[%get3A, %get3A_129] {strides = array<i32>} : memref<125x80xi32, #tpu.memory_space<vmem>>, vector<16xi32>,
        %mul3A_131 = arith.constant 16 : i32
        %mul3A_132 = arith.muli %scan3A_126, %mul3A_131 : i32
        %get3A_133 = arith.index_cast %mul3A_78 : i32 to index
        %get3A_134 = arith.index_cast %mul3A_132 : i32 to index
        %get3A_135 = tpu.vector_load %arg9[%get3A_133, %get3A_134] {strides = array<i32>} : memref<125x80xi32, #tpu.memory_space<vmem>>, vector<16xi32>,
        %gather3A = tpu.vector_load_idx %arg16[%get3A_135] : memref<10000xf32, #tpu.memory_space<vmem>>[vector<16xi32>], vector<16xf32>,
        tpu.vector_store_idx %arg17[%get3A_130], %gather3A {add = true} : memref<10000xf32, #tpu.memory_space<vmem>>[vector<16xi32>], vector<16xf32>,
      }
      %scan3A_103 = arith.constant 5 : i32
      %add3A_104 = arith.constant 2 : i32
      %add3A_105 = arith.addi %add3A_82, %add3A_104 : i32
      %min3A_106 = arith.constant 124 : i32
      %min3A_107 = arith.minsi %add3A_105, %min3A_106 : i32
      %dma_wait3A_108 = arith.constant 0 : i32
      %dma_wait3A_109 = tpu.memref_slice %arg9[%add3A_82, %dma_wait3A_108] : memref<125x80xi32, #tpu.memory_space<vmem>> -> memref<1x80xi32, #tpu.memory_space<vmem>>
      %dma_wait3A_110 = tpu.memref_squeeze %dma_wait3A_109 : memref<1x80xi32, #tpu.memory_space<vmem>> -> memref<80xi32, #tpu.memory_space<vmem>>
      %dma_wait3A_111 = arith.constant 0 : i32
      %dma_wait3A_112 = arith.constant 0 : i32
      %dma_wait3A_113 = tpu.memref_slice %arg4[%dma_wait3A_111, %dma_wait3A_112] : memref<10000x128xbf16, #tpu.memory_space<hbm>> -> memref<10000x128xbf16, #tpu.memory_space<hbm>>
      tpu.wait_indirect_dma semaphore(%arg15 : memref<!tpu.dma_semaphore, #tpu.memory_space<semaphore_mem>>) src(%dma_wait3A_113 : memref<10000x128xbf16, #tpu.memory_space<hbm>>) dst(%arg11 : memref<80x128xbf16, #tpu.memory_space<vmem>>)
      "tpu.region"() ({
        %run_scoped3A_126 = tpu.sem_alloc : memref<!tpu.dma_semaphore, #tpu.memory_space<semaphore_mem>>
        %dma_start3A_127 = arith.constant 0 : i32
        %dma_start3A_128 = tpu.memref_slice %arg8[%add3A_82, %dma_start3A_127] : memref<125x80xi32, #tpu.memory_space<vmem>> -> memref<1x80xi32, #tpu.memory_space<vmem>>
        %dma_start3A_129 = tpu.memref_squeeze %dma_start3A_128 : memref<1x80xi32, #tpu.memory_space<vmem>> -> memref<80xi32, #tpu.memory_space<vmem>>
        %dma_start3A_130 = arith.constant 0 : i32
        %dma_start3A_131 = arith.constant 0 : i32
        %dma_start3A_132 = tpu.memref_slice %arg13[%dma_start3A_130, %dma_start3A_131] : memref<10000x128xbf16, #tpu.memory_space<vmem_shared>> -> memref<10000x128xbf16, #tpu.memory_space<vmem_shared>>
        tpu.enqueue_indirect_dma source(%arg11 : memref<80x128xbf16, #tpu.memory_space<vmem>>) target(%dma_start3A_132 : memref<10000x128xbf16, #tpu.memory_space<vmem_shared>>) offsets(%dma_start3A_129 : memref<80xi32, #tpu.memory_space<vmem>>) semaphore(%run_scoped3A_126 : memref<!tpu.dma_semaphore, #tpu.memory_space<semaphore_mem>>) {add = true}
        %dma_wait3A_133 = arith.constant 0 : i32
        %dma_wait3A_134 = tpu.memref_slice %arg8[%add3A_82, %dma_wait3A_133] : memref<125x80xi32, #tpu.memory_space<vmem>> -> memref<1x80xi32, #tpu.memory_space<vmem>>
        %dma_wait3A_135 = tpu.memref_squeeze %dma_wait3A_134 : memref<1x80xi32, #tpu.memory_space<vmem>> -> memref<80xi32, #tpu.memory_space<vmem>>
        %dma_wait3A_136 = arith.constant 0 : i32
        %dma_wait3A_137 = arith.constant 0 : i32
        %dma_wait3A_138 = tpu.memref_slice %arg13[%dma_wait3A_136, %dma_wait3A_137] : memref<10000x128xbf16, #tpu.memory_space<vmem_shared>> -> memref<10000x128xbf16, #tpu.memory_space<vmem_shared>>
        tpu.wait_indirect_dma semaphore(%run_scoped3A_126 : memref<!tpu.dma_semaphore, #tpu.memory_space<semaphore_mem>>) src(%arg11 : memref<80x128xbf16, #tpu.memory_space<vmem>>) dst(%dma_wait3A_138 : memref<10000x128xbf16, #tpu.memory_space<vmem_shared>>)
        tpu.yield
      }) : () -> ()
      %dma_start3A_114 = arith.constant 0 : i32
      %dma_start3A_115 = tpu.memref_slice %arg9[%min3A_107, %dma_start3A_114] : memref<125x80xi32, #tpu.memory_space<vmem>> -> memref<1x80xi32, #tpu.memory_space<vmem>>
      %dma_start3A_116 = tpu.memref_squeeze %dma_start3A_115 : memref<1x80xi32, #tpu.memory_space<vmem>> -> memref<80xi32, #tpu.memory_space<vmem>>
      %dma_start3A_117 = arith.constant 0 : i32
      %dma_start3A_118 = arith.constant 0 : i32
      %dma_start3A_119 = tpu.memref_slice %arg4[%dma_start3A_117, %dma_start3A_118] : memref<10000x128xbf16, #tpu.memory_space<hbm>> -> memref<10000x128xbf16, #tpu.memory_space<hbm>>
      tpu.enqueue_indirect_dma source(%dma_start3A_119 : memref<10000x128xbf16, #tpu.memory_space<hbm>>) target(%arg11 : memref<80x128xbf16, #tpu.memory_space<vmem>>) offsets(%dma_start3A_116 : memref<80xi32, #tpu.memory_space<vmem>>) semaphore(%arg15 : memref<!tpu.dma_semaphore, #tpu.memory_space<semaphore_mem>>)
      %scan3A_120 = arith.constant 0 : i32
      %scan3A_121 = arith.constant 0 : i32
      %scan3A_122 = arith.constant 5 : i32
      %scan3A_123 = arith.addi %scan3A_121, %scan3A_122 : i32
      %scan3A_124 = arith.constant 1 : i32
      scf.for %scan3A_126 = %scan3A_121 to %scan3A_123 step %scan3A_124  : i32 {
        %mul3A_127 = arith.constant 16 : i32
        %mul3A_128 = arith.muli %scan3A_126, %mul3A_127 : i32
        %get3A = arith.index_cast %add3A_82 : i32 to index
        %get3A_129 = arith.index_cast %mul3A_128 : i32 to index
        %get3A_130 = tpu.vector_load %arg8[%get3A, %get3A_129] {strides = array<i32>} : memref<125x80xi32, #tpu.memory_space<vmem>>, vector<16xi32>,
        %mul3A_131 = arith.constant 16 : i32
        %mul3A_132 = arith.muli %scan3A_126, %mul3A_131 : i32
        %get3A_133 = arith.index_cast %add3A_82 : i32 to index
        %get3A_134 = arith.index_cast %mul3A_132 : i32 to index
        %get3A_135 = tpu.vector_load %arg9[%get3A_133, %get3A_134] {strides = array<i32>} : memref<125x80xi32, #tpu.memory_space<vmem>>, vector<16xi32>,
        %gather3A = tpu.vector_load_idx %arg16[%get3A_135] : memref<10000xf32, #tpu.memory_space<vmem>>[vector<16xi32>], vector<16xf32>,
        tpu.vector_store_idx %arg17[%get3A_130], %gather3A {add = true} : memref<10000xf32, #tpu.memory_space<vmem>>[vector<16xi32>], vector<16xf32>,
      }
      %scan3A_125 = arith.constant 5 : i32
    }
    %scan3A_51 = arith.constant 62 : i32
    %dma_wait3A = arith.constant 124 : i32
    %dma_wait3A_52 = arith.constant 0 : i32
    %dma_wait3A_53 = tpu.memref_slice %arg9[%dma_wait3A, %dma_wait3A_52] : memref<125x80xi32, #tpu.memory_space<vmem>> -> memref<1x80xi32, #tpu.memory_space<vmem>>
    %dma_wait3A_54 = tpu.memref_squeeze %dma_wait3A_53 : memref<1x80xi32, #tpu.memory_space<vmem>> -> memref<80xi32, #tpu.memory_space<vmem>>
    %dma_wait3A_55 = arith.constant 0 : i32
    %dma_wait3A_56 = arith.constant 0 : i32
    %dma_wait3A_57 = tpu.memref_slice %arg4[%dma_wait3A_55, %dma_wait3A_56] : memref<10000x128xbf16, #tpu.memory_space<hbm>> -> memref<10000x128xbf16, #tpu.memory_space<hbm>>
    tpu.wait_indirect_dma semaphore(%arg14 : memref<!tpu.dma_semaphore, #tpu.memory_space<semaphore_mem>>) src(%dma_wait3A_57 : memref<10000x128xbf16, #tpu.memory_space<hbm>>) dst(%arg10 : memref<80x128xbf16, #tpu.memory_space<vmem>>)
    %run_scoped3A = arith.constant 124 : i32
    "tpu.region"() ({
      %run_scoped3A_76 = tpu.sem_alloc : memref<!tpu.dma_semaphore, #tpu.memory_space<semaphore_mem>>
      %dma_start3A_77 = arith.constant 0 : i32
      %dma_start3A_78 = tpu.memref_slice %arg8[%run_scoped3A, %dma_start3A_77] : memref<125x80xi32, #tpu.memory_space<vmem>> -> memref<1x80xi32, #tpu.memory_space<vmem>>
      %dma_start3A_79 = tpu.memref_squeeze %dma_start3A_78 : memref<1x80xi32, #tpu.memory_space<vmem>> -> memref<80xi32, #tpu.memory_space<vmem>>
      %dma_start3A_80 = arith.constant 0 : i32
      %dma_start3A_81 = arith.constant 0 : i32
      %dma_start3A_82 = tpu.memref_slice %arg13[%dma_start3A_80, %dma_start3A_81] : memref<10000x128xbf16, #tpu.memory_space<vmem_shared>> -> memref<10000x128xbf16, #tpu.memory_space<vmem_shared>>
      tpu.enqueue_indirect_dma source(%arg10 : memref<80x128xbf16, #tpu.memory_space<vmem>>) target(%dma_start3A_82 : memref<10000x128xbf16, #tpu.memory_space<vmem_shared>>) offsets(%dma_start3A_79 : memref<80xi32, #tpu.memory_space<vmem>>) semaphore(%run_scoped3A_76 : memref<!tpu.dma_semaphore, #tpu.memory_space<semaphore_mem>>) {add = true}
      %dma_wait3A_83 = arith.constant 0 : i32
      %dma_wait3A_84 = tpu.memref_slice %arg8[%run_scoped3A, %dma_wait3A_83] : memref<125x80xi32, #tpu.memory_space<vmem>> -> memref<1x80xi32, #tpu.memory_space<vmem>>
      %dma_wait3A_85 = tpu.memref_squeeze %dma_wait3A_84 : memref<1x80xi32, #tpu.memory_space<vmem>> -> memref<80xi32, #tpu.memory_space<vmem>>
      %dma_wait3A_86 = arith.constant 0 : i32
      %dma_wait3A_87 = arith.constant 0 : i32
      %dma_wait3A_88 = tpu.memref_slice %arg13[%dma_wait3A_86, %dma_wait3A_87] : memref<10000x128xbf16, #tpu.memory_space<vmem_shared>> -> memref<10000x128xbf16, #tpu.memory_space<vmem_shared>>
      tpu.wait_indirect_dma semaphore(%run_scoped3A_76 : memref<!tpu.dma_semaphore, #tpu.memory_space<semaphore_mem>>) src(%arg10 : memref<80x128xbf16, #tpu.memory_space<vmem>>) dst(%dma_wait3A_88 : memref<10000x128xbf16, #tpu.memory_space<vmem_shared>>)
      tpu.yield
    }) : () -> ()
    %scan3A_58 = arith.constant 0 : i32
    %scan3A_59 = arith.constant 0 : i32
    %scan3A_60 = arith.constant 5 : i32
    %scan3A_61 = arith.addi %scan3A_59, %scan3A_60 : i32
    %scan3A_62 = arith.constant 1 : i32
    scf.for %scan3A_76 = %scan3A_59 to %scan3A_61 step %scan3A_62  : i32 {
      %mul3A_77 = arith.constant 16 : i32
      %mul3A_78 = arith.muli %scan3A_76, %mul3A_77 : i32
      %get3A = arith.constant 124 : i32
      %get3A_79 = arith.index_cast %get3A : i32 to index
      %get3A_80 = arith.index_cast %mul3A_78 : i32 to index
      %get3A_81 = tpu.vector_load %arg8[%get3A_79, %get3A_80] {strides = array<i32>} : memref<125x80xi32, #tpu.memory_space<vmem>>, vector<16xi32>,
      %mul3A_82 = arith.constant 16 : i32
      %mul3A_83 = arith.muli %scan3A_76, %mul3A_82 : i32
      %get3A_84 = arith.constant 124 : i32
      %get3A_85 = arith.index_cast %get3A_84 : i32 to index
      %get3A_86 = arith.index_cast %mul3A_83 : i32 to index
      %get3A_87 = tpu.vector_load %arg9[%get3A_85, %get3A_86] {strides = array<i32>} : memref<125x80xi32, #tpu.memory_space<vmem>>, vector<16xi32>,
      %gather3A = tpu.vector_load_idx %arg16[%get3A_87] : memref<10000xf32, #tpu.memory_space<vmem>>[vector<16xi32>], vector<16xf32>,
      tpu.vector_store_idx %arg17[%get3A_81], %gather3A {add = true} : memref<10000xf32, #tpu.memory_space<vmem>>[vector<16xi32>], vector<16xf32>,
    }
    %scan3A_63 = arith.constant 5 : i32
    %dma_wait3A_64 = arith.constant 124 : i32
    %dma_wait3A_65 = arith.constant 0 : i32
    %dma_wait3A_66 = tpu.memref_slice %arg9[%dma_wait3A_64, %dma_wait3A_65] : memref<125x80xi32, #tpu.memory_space<vmem>> -> memref<1x80xi32, #tpu.memory_space<vmem>>
    %dma_wait3A_67 = tpu.memref_squeeze %dma_wait3A_66 : memref<1x80xi32, #tpu.memory_space<vmem>> -> memref<80xi32, #tpu.memory_space<vmem>>
    %dma_wait3A_68 = arith.constant 0 : i32
    %dma_wait3A_69 = arith.constant 0 : i32
    %dma_wait3A_70 = tpu.memref_slice %arg4[%dma_wait3A_68, %dma_wait3A_69] : memref<10000x128xbf16, #tpu.memory_space<hbm>> -> memref<10000x128xbf16, #tpu.memory_space<hbm>>
    tpu.wait_indirect_dma semaphore(%arg15 : memref<!tpu.dma_semaphore, #tpu.memory_space<semaphore_mem>>) src(%dma_wait3A_70 : memref<10000x128xbf16, #tpu.memory_space<hbm>>) dst(%arg11 : memref<80x128xbf16, #tpu.memory_space<vmem>>)
    "tpu.region"() ({
      %run_scoped3A_76 = tpu.sem_alloc : memref<!tpu.dma_semaphore, #tpu.memory_space<semaphore_mem>>
      %dma_start3A_77 = arith.constant 0 : i32
      %dma_start3A_78 = tpu.memref_slice %arg7[%add3A, %dma_start3A_77] : memref<32x10000xf32, #tpu.memory_space<hbm>> -> memref<1x10000xf32, #tpu.memory_space<hbm>>
      %dma_start3A_79 = tpu.memref_squeeze %dma_start3A_78 : memref<1x10000xf32, #tpu.memory_space<hbm>> -> memref<10000xf32, #tpu.memory_space<hbm>>
      %dma_start3A_80 = arith.constant 0 : i32
      %dma_start3A_81 = tpu.memref_slice %arg7[%add3A, %dma_start3A_80] : memref<32x10000xf32, #tpu.memory_space<hbm>> -> memref<1x10000xf32, #tpu.memory_space<hbm>>
      %dma_start3A_82 = tpu.memref_squeeze %dma_start3A_81 : memref<1x10000xf32, #tpu.memory_space<hbm>> -> memref<10000xf32, #tpu.memory_space<hbm>>
      tpu.enqueue_dma source(%arg17 : memref<10000xf32, #tpu.memory_space<vmem>>) target(%dma_start3A_82 : memref<10000xf32, #tpu.memory_space<hbm>>) target_semaphore(%run_scoped3A_76 : memref<!tpu.dma_semaphore, #tpu.memory_space<semaphore_mem>>)
      %dma_wait3A_83 = arith.constant 0 : i32
      %dma_wait3A_84 = tpu.memref_slice %arg7[%add3A, %dma_wait3A_83] : memref<32x10000xf32, #tpu.memory_space<hbm>> -> memref<1x10000xf32, #tpu.memory_space<hbm>>
      %dma_wait3A_85 = tpu.memref_squeeze %dma_wait3A_84 : memref<1x10000xf32, #tpu.memory_space<hbm>> -> memref<10000xf32, #tpu.memory_space<hbm>>
      %dma_wait3A_86 = arith.constant 0 : i32
      %dma_wait3A_87 = tpu.memref_slice %arg7[%add3A, %dma_wait3A_86] : memref<32x10000xf32, #tpu.memory_space<hbm>> -> memref<1x10000xf32, #tpu.memory_space<hbm>>
      %dma_wait3A_88 = tpu.memref_squeeze %dma_wait3A_87 : memref<1x10000xf32, #tpu.memory_space<hbm>> -> memref<10000xf32, #tpu.memory_space<hbm>>
      tpu.wait_dma2 semaphore(%run_scoped3A_76 : memref<!tpu.dma_semaphore, #tpu.memory_space<semaphore_mem>>) src(%arg17 : memref<10000xf32, #tpu.memory_space<vmem>>) dst(%dma_wait3A_88 : memref<10000xf32, #tpu.memory_space<hbm>>)
      tpu.yield
    }) : () -> ()
    %barrier3A_71 = arith.constant 0 : index
    tpu.barrier barrier_id(%barrier3A_71)
    %mul3A_72 = arith.constant 625 : i32
    %mul3A_73 = arith.muli %arg1, %mul3A_72 : i32
    %mul3A_74 = arith.constant 625 : i32
    %mul3A_75 = arith.muli %arg1, %mul3A_74 : i32
    "tpu.region"() ({
      %run_scoped3A_76 = tpu.sem_alloc : memref<!tpu.dma_semaphore, #tpu.memory_space<semaphore_mem>>
      %dma_start3A_77 = arith.constant 0 : i32
      %dma_start3A_78 = tpu.memref_slice %arg6[%arg0, %mul3A_75, %dma_start3A_77] : memref<2x10000x128xbf16, #tpu.memory_space<hbm>> -> memref<1x625x128xbf16, #tpu.memory_space<hbm>>
      %dma_start3A_79 = tpu.memref_squeeze %dma_start3A_78 : memref<1x625x128xbf16, #tpu.memory_space<hbm>> -> memref<625x128xbf16, #tpu.memory_space<hbm>>
      %dma_start3A_80 = arith.constant 0 : i32
      %dma_start3A_81 = tpu.memref_slice %arg13[%mul3A_73, %dma_start3A_80] : memref<10000x128xbf16, #tpu.memory_space<vmem_shared>> -> memref<625x128xbf16, #tpu.memory_space<vmem_shared>>
      tpu.enqueue_dma source(%dma_start3A_81 : memref<625x128xbf16, #tpu.memory_space<vmem_shared>>) target(%dma_start3A_79 : memref<625x128xbf16, #tpu.memory_space<hbm>>) target_semaphore(%run_scoped3A_76 : memref<!tpu.dma_semaphore, #tpu.memory_space<semaphore_mem>>)
      %dma_wait3A_82 = arith.constant 0 : i32
      %dma_wait3A_83 = tpu.memref_slice %arg6[%arg0, %mul3A_75, %dma_wait3A_82] : memref<2x10000x128xbf16, #tpu.memory_space<hbm>> -> memref<1x625x128xbf16, #tpu.memory_space<hbm>>
      %dma_wait3A_84 = tpu.memref_squeeze %dma_wait3A_83 : memref<1x625x128xbf16, #tpu.memory_space<hbm>> -> memref<625x128xbf16, #tpu.memory_space<hbm>>
      %dma_wait3A_85 = arith.constant 0 : i32
      %dma_wait3A_86 = tpu.memref_slice %arg13[%mul3A_73, %dma_wait3A_85] : memref<10000x128xbf16, #tpu.memory_space<vmem_shared>> -> memref<625x128xbf16, #tpu.memory_space<vmem_shared>>
      tpu.wait_dma2 semaphore(%run_scoped3A_76 : memref<!tpu.dma_semaphore, #tpu.memory_space<semaphore_mem>>) src(%dma_wait3A_86 : memref<625x128xbf16, #tpu.memory_space<vmem_shared>>) dst(%dma_wait3A_84 : memref<625x128xbf16, #tpu.memory_space<hbm>>)
      tpu.yield
    }) : () -> ()
    return
  }
}

module attributes {stable_mosaic.version = 14 : i64} {
  func.func @_tc1_body(%arg0: memref<10000x128xf32, #tpu.memory_space<vmem>>, %arg1: memref<32x10000xf32, #tpu.memory_space<vmem>>, %arg2: memref<10000x128xf32, #tpu.memory_space<vmem>>, %arg3: memref<10000x128xbf16, #tpu.memory_space<vmem>>, %arg4: memref<10000xf32, #tpu.memory_space<vmem>>, %arg5: memref<10000xf32, #tpu.memory_space<vmem>>) attributes {dimension_semantics = [], scalar_prefetch = 0 : i64, scratch_operands = 0 : i64, tpu.core_type = #tpu.core_type<tc>} {
    %get3A = arith.constant 0 : index
    %get3A_0 = arith.constant 0 : index
    %get3A_1 = vector.load %arg1[%get3A, %get3A_0] : memref<32x10000xf32, #tpu.memory_space<vmem>>, vector<32x10000xf32>
    %reduce_sum3A = arith.constant dense<0.000000e+00> : vector<10000xf32>
    %reduce_sum3A_2 = vector.multi_reduction <add>, %get3A_1, %reduce_sum3A [0] : vector<32x10000xf32> to vector<10000xf32>
    %add3A = arith.constant 1.000000e+00 : f32
    %add3A_3 = vector.broadcast %add3A : f32 to vector<10000xf32>
    %add3A_4 = arith.addf %reduce_sum3A_2, %add3A_3 : vector<10000xf32>
    %rsqrt3A = math.rsqrt %add3A_4 : vector<10000xf32>
    %get3A_5 = arith.constant 0 : index
    %get3A_6 = arith.constant 0 : index
    %get3A_7 = vector.load %arg0[%get3A_5, %get3A_6] : memref<10000x128xf32, #tpu.memory_space<vmem>>, vector<10000x128xf32>
    %broadcast_in_dim3A = vector.shape_cast %rsqrt3A : vector<10000xf32> to vector<10000x1xf32>
    %mul3A = vector.broadcast %broadcast_in_dim3A : vector<10000x1xf32> to vector<10000x128xf32>
    %mul3A_8 = arith.mulf %get3A_7, %mul3A : vector<10000x128xf32>
    %swap3A = arith.constant 0 : index
    %swap3A_9 = arith.constant 0 : index
    %swap3A_10 = vector.load %arg2[%swap3A, %swap3A_9] : memref<10000x128xf32, #tpu.memory_space<vmem>>, vector<10000x128xf32>
    tpu.vector_store %arg2[%swap3A, %swap3A_9], %mul3A_8 {strides = array<i32>} : memref<10000x128xf32, #tpu.memory_space<vmem>>, vector<10000x128xf32>,
    %convert_element_type3A = arith.truncf %mul3A_8 : vector<10000x128xf32> to vector<10000x128xbf16>
    %swap3A_11 = arith.constant 0 : index
    %swap3A_12 = arith.constant 0 : index
    %swap3A_13 = vector.load %arg3[%swap3A_11, %swap3A_12] : memref<10000x128xbf16, #tpu.memory_space<vmem>>, vector<10000x128xbf16>
    tpu.vector_store %arg3[%swap3A_11, %swap3A_12], %convert_element_type3A {strides = array<i32>} : memref<10000x128xbf16, #tpu.memory_space<vmem>>, vector<10000x128xbf16>,
    %swap3A_14 = arith.constant 0 : index
    %swap3A_15 = vector.load %arg4[%swap3A_14] : memref<10000xf32, #tpu.memory_space<vmem>>, vector<10000xf32>
    tpu.vector_store %arg4[%swap3A_14], %rsqrt3A {strides = array<i32>} : memref<10000xf32, #tpu.memory_space<vmem>>, vector<10000xf32>,
    %swap3A_16 = arith.constant 0 : index
    %swap3A_17 = vector.load %arg5[%swap3A_16] : memref<10000xf32, #tpu.memory_space<vmem>>, vector<10000xf32>
    tpu.vector_store %arg5[%swap3A_16], %reduce_sum3A_2 {strides = array<i32>} : memref<10000xf32, #tpu.memory_space<vmem>>, vector<10000xf32>,
    return
  }
}

module attributes {stable_mosaic.version = 14 : i64} {
  func.func @_tc0_body(%arg0: memref<10000x128xf32, #tpu.memory_space<vmem>>, %arg1: memref<128x128xf32, #tpu.memory_space<vmem>>, %arg2: memref<10000x128xf32, #tpu.memory_space<vmem>>) attributes {dimension_semantics = [], scalar_prefetch = 0 : i64, scratch_operands = 0 : i64, tpu.core_type = #tpu.core_type<tc>} {
    %get3A = arith.constant 0 : index
    %get3A_0 = arith.constant 0 : index
    %get3A_1 = vector.load %arg0[%get3A, %get3A_0] : memref<10000x128xf32, #tpu.memory_space<vmem>>, vector<10000x128xf32>
    %get3A_2 = arith.constant 0 : index
    %get3A_3 = arith.constant 0 : index
    %get3A_4 = vector.load %arg1[%get3A_2, %get3A_3] : memref<128x128xf32, #tpu.memory_space<vmem>>, vector<128x128xf32>
    %dot_general3A = arith.constant dense<0.000000e+00> : vector<10000x128xf32>
    %dot_general3A_5 = tpu.matmul %get3A_1, %get3A_4, %dot_general3A {dimension_numbers = #tpu.dot_dimension_numbers<[1], [0], [0], [1], [0, 0, 1, 1], [], []>, precision = #tpu.contract_precision<fp32>, transpose_lhs_hint = false} : vector<10000x128xf32>, vector<128x128xf32>, vector<10000x128xf32> -> vector<10000x128xf32>
    %swap3A = arith.constant 0 : index
    %swap3A_6 = arith.constant 0 : index
    %swap3A_7 = vector.load %arg2[%swap3A, %swap3A_6] : memref<10000x128xf32, #tpu.memory_space<vmem>>, vector<10000x128xf32>
    tpu.vector_store %arg2[%swap3A, %swap3A_6], %dot_general3A_5 {strides = array<i32>} : memref<10000x128xf32, #tpu.memory_space<vmem>>, vector<10000x128xf32>,
    return
  }
}

module attributes {stable_mosaic.version = 14 : i64} {
  func.func @_tc2_body(%arg0: memref<2x10000x128xbf16, #tpu.memory_space<vmem>>, %arg1: memref<10000x128xf32, #tpu.memory_space<vmem>>, %arg2: memref<10000xf32, #tpu.memory_space<vmem>>, %arg3: memref<128xf32, #tpu.memory_space<vmem>>, %arg4: memref<10000x128xf32, #tpu.memory_space<vmem>>, %arg5: memref<10000x128xbf16, #tpu.memory_space<vmem>>, %arg6: memref<10000xf32, #tpu.memory_space<vmem>>) attributes {dimension_semantics = [], scalar_prefetch = 0 : i64, scratch_operands = 0 : i64, tpu.core_type = #tpu.core_type<tc>} {
    %get3A = arith.constant 0 : index
    %get3A_0 = arith.constant 0 : index
    %get3A_1 = arith.constant 0 : index
    %get3A_2 = vector.load %arg0[%get3A, %get3A_0, %get3A_1] : memref<2x10000x128xbf16, #tpu.memory_space<vmem>>, vector<1x10000x128xbf16>
    %get3A_3 = vector.shape_cast %get3A_2 : vector<1x10000x128xbf16> to vector<10000x128xbf16>
    %convert_element_type3A = arith.extf %get3A_3 : vector<10000x128xbf16> to vector<10000x128xf32>
    %get3A_4 = arith.constant 1 : index
    %get3A_5 = arith.constant 0 : index
    %get3A_6 = arith.constant 0 : index
    %get3A_7 = vector.load %arg0[%get3A_4, %get3A_5, %get3A_6] : memref<2x10000x128xbf16, #tpu.memory_space<vmem>>, vector<1x10000x128xbf16>
    %get3A_8 = vector.shape_cast %get3A_7 : vector<1x10000x128xbf16> to vector<10000x128xbf16>
    %convert_element_type3A_9 = arith.extf %get3A_8 : vector<10000x128xbf16> to vector<10000x128xf32>
    %add3A = arith.addf %convert_element_type3A, %convert_element_type3A_9 : vector<10000x128xf32>
    %get3A_10 = arith.constant 0 : index
    %get3A_11 = vector.load %arg2[%get3A_10] : memref<10000xf32, #tpu.memory_space<vmem>>, vector<10000xf32>
    %broadcast_in_dim3A = vector.shape_cast %get3A_11 : vector<10000xf32> to vector<10000x1xf32>
    %get3A_12 = arith.constant 0 : index
    %get3A_13 = arith.constant 0 : index
    %get3A_14 = vector.load %arg1[%get3A_12, %get3A_13] : memref<10000x128xf32, #tpu.memory_space<vmem>>, vector<10000x128xf32>
    %add3A_15 = arith.addf %add3A, %get3A_14 : vector<10000x128xf32>
    %mul3A = vector.broadcast %broadcast_in_dim3A : vector<10000x1xf32> to vector<10000x128xf32>
    %mul3A_16 = arith.mulf %mul3A, %add3A_15 : vector<10000x128xf32>
    %get3A_17 = arith.constant 0 : index
    %get3A_18 = vector.load %arg3[%get3A_17] : memref<128xf32, #tpu.memory_space<vmem>>, vector<128xf32>
    %broadcast_in_dim3A_19 = vector.shape_cast %get3A_18 : vector<128xf32> to vector<1x128xf32>
    %add3A_20 = vector.broadcast %broadcast_in_dim3A_19 : vector<1x128xf32> to vector<10000x128xf32>
    %add3A_21 = arith.addf %mul3A_16, %add3A_20 : vector<10000x128xf32>
    %max3A = arith.constant 0.000000e+00 : f32
    %max3A_22 = vector.broadcast %max3A : f32 to vector<10000x128xf32>
    %max3A_23 = arith.maximumf %add3A_21, %max3A_22 : vector<10000x128xf32>
    %swap3A = arith.constant 0 : index
    %swap3A_24 = arith.constant 0 : index
    %swap3A_25 = vector.load %arg4[%swap3A, %swap3A_24] : memref<10000x128xf32, #tpu.memory_space<vmem>>, vector<10000x128xf32>
    tpu.vector_store %arg4[%swap3A, %swap3A_24], %max3A_23 {strides = array<i32>} : memref<10000x128xf32, #tpu.memory_space<vmem>>, vector<10000x128xf32>,
    %convert_element_type3A_26 = arith.truncf %max3A_23 : vector<10000x128xf32> to vector<10000x128xbf16>
    %swap3A_27 = arith.constant 0 : index
    %swap3A_28 = arith.constant 0 : index
    %swap3A_29 = vector.load %arg5[%swap3A_27, %swap3A_28] : memref<10000x128xbf16, #tpu.memory_space<vmem>>, vector<10000x128xbf16>
    tpu.vector_store %arg5[%swap3A_27, %swap3A_28], %convert_element_type3A_26 {strides = array<i32>} : memref<10000x128xbf16, #tpu.memory_space<vmem>>, vector<10000x128xbf16>,
    %mul3A_30 = arith.mulf %max3A_23, %max3A_23 : vector<10000x128xf32>
    %reduce_sum3A = arith.constant dense<0.000000e+00> : vector<10000xf32>
    %reduce_sum3A_31 = vector.multi_reduction <add>, %mul3A_30, %reduce_sum3A [1] : vector<10000x128xf32> to vector<10000xf32>
    %swap3A_32 = arith.constant 0 : index
    %swap3A_33 = vector.load %arg6[%swap3A_32] : memref<10000xf32, #tpu.memory_space<vmem>>, vector<10000xf32>
    tpu.vector_store %arg6[%swap3A_32], %reduce_sum3A_31 {strides = array<i32>} : memref<10000xf32, #tpu.memory_space<vmem>>, vector<10000xf32>,
    return
  }
}

module attributes {stable_mosaic.version = 14 : i64} {
  func.func @_tc3_body(%arg0: memref<2x10000x128xbf16, #tpu.memory_space<vmem>>, %arg1: memref<10000x128xf32, #tpu.memory_space<vmem>>, %arg2: memref<10000xf32, #tpu.memory_space<vmem>>, %arg3: memref<10000xf32, #tpu.memory_space<vmem>>, %arg4: memref<32x10000xf32, #tpu.memory_space<vmem>>, %arg5: memref<10000xf32, #tpu.memory_space<vmem>>) attributes {dimension_semantics = [], scalar_prefetch = 0 : i64, scratch_operands = 0 : i64, tpu.core_type = #tpu.core_type<tc>} {
    %get3A = arith.constant 0 : index
    %get3A_0 = arith.constant 0 : index
    %get3A_1 = arith.constant 0 : index
    %get3A_2 = vector.load %arg0[%get3A, %get3A_0, %get3A_1] : memref<2x10000x128xbf16, #tpu.memory_space<vmem>>, vector<1x10000x128xbf16>
    %get3A_3 = vector.shape_cast %get3A_2 : vector<1x10000x128xbf16> to vector<10000x128xbf16>
    %convert_element_type3A = arith.extf %get3A_3 : vector<10000x128xbf16> to vector<10000x128xf32>
    %get3A_4 = arith.constant 1 : index
    %get3A_5 = arith.constant 0 : index
    %get3A_6 = arith.constant 0 : index
    %get3A_7 = vector.load %arg0[%get3A_4, %get3A_5, %get3A_6] : memref<2x10000x128xbf16, #tpu.memory_space<vmem>>, vector<1x10000x128xbf16>
    %get3A_8 = vector.shape_cast %get3A_7 : vector<1x10000x128xbf16> to vector<10000x128xbf16>
    %convert_element_type3A_9 = arith.extf %get3A_8 : vector<10000x128xbf16> to vector<10000x128xf32>
    %add3A = arith.addf %convert_element_type3A, %convert_element_type3A_9 : vector<10000x128xf32>
    %get3A_10 = arith.constant 0 : index
    %get3A_11 = arith.constant 0 : index
    %get3A_12 = vector.load %arg4[%get3A_10, %get3A_11] : memref<32x10000xf32, #tpu.memory_space<vmem>>, vector<32x10000xf32>
    %reduce_sum3A = arith.constant dense<0.000000e+00> : vector<10000xf32>
    %reduce_sum3A_13 = vector.multi_reduction <add>, %get3A_12, %reduce_sum3A [0] : vector<32x10000xf32> to vector<10000xf32>
    %get3A_14 = arith.constant 0 : index
    %get3A_15 = arith.constant 0 : index
    %get3A_16 = vector.load %arg1[%get3A_14, %get3A_15] : memref<10000x128xf32, #tpu.memory_space<vmem>>, vector<10000x128xf32>
    %mul3A = arith.mulf %get3A_16, %add3A : vector<10000x128xf32>
    %reduce_sum3A_17 = arith.constant dense<0.000000e+00> : vector<10000xf32>
    %reduce_sum3A_18 = vector.multi_reduction <add>, %mul3A, %reduce_sum3A_17 [1] : vector<10000x128xf32> to vector<10000xf32>
    %get3A_19 = arith.constant 0 : index
    %get3A_20 = vector.load %arg3[%get3A_19] : memref<10000xf32, #tpu.memory_space<vmem>>, vector<10000xf32>
    %get3A_21 = arith.constant 0 : index
    %get3A_22 = vector.load %arg2[%get3A_21] : memref<10000xf32, #tpu.memory_space<vmem>>, vector<10000xf32>
    %mul3A_23 = arith.mulf %get3A_20, %get3A_22 : vector<10000xf32>
    %mul3A_24 = arith.constant 2.000000e+00 : f32
    %mul3A_25 = vector.broadcast %mul3A_24 : f32 to vector<10000xf32>
    %mul3A_26 = arith.mulf %mul3A_25, %reduce_sum3A_18 : vector<10000xf32>
    %sub3A = arith.subf %mul3A_23, %mul3A_26 : vector<10000xf32>
    %add3A_27 = arith.addf %sub3A, %reduce_sum3A_13 : vector<10000xf32>
    %max3A = arith.constant 1.000000e+00 : f32
    %max3A_28 = vector.broadcast %max3A : f32 to vector<10000xf32>
    %max3A_29 = arith.maximumf %get3A_20, %max3A_28 : vector<10000xf32>
    %div3A = arith.divf %add3A_27, %max3A_29 : vector<10000xf32>
    %tanh3A = math.tanh %div3A : vector<10000xf32>
    %swap3A = arith.constant 0 : index
    %swap3A_30 = vector.load %arg5[%swap3A] : memref<10000xf32, #tpu.memory_space<vmem>>, vector<10000xf32>
    tpu.vector_store %arg5[%swap3A], %tanh3A {strides = array<i32>} : memref<10000xf32, #tpu.memory_space<vmem>>, vector<10000xf32>,
    return
  }
}

</mosaic_0001>

<sc_bundles>
// kernel: kernel.12.cloned.1.call-start
scs
__scs_entry_jumppad:
0x0: {  	(pc) =	sbr.rel $0x88, $3  }
0x1: {  	(tag) =	ssettag $0x0;
	lr =	simm.s32 $0x1  }
0x2: {  	[smem:$0x3F9D] =	sst lr;
	_ =	strace $0xD0000000  }
0x3: {  	_ = 	snop  }
0x4: {  	_ = 	snop  }
0x5: {  	_ = 	snop  }
0x6: {  	_ = 	snop  }
0x7: {  	_ = 	snop  }
__scs_overlays_trampoline_lowered:
0x8: {  	[smem:$0x3FAC] =	sst s0  }
0x9: {  	[smem:$0x3FAD] =	sst s1  }
0xa: {  	[smem:$0x3FAE] =	sst s2  }
0xb: {  	[smem:$0x3FAF] =	sst s3  }
0xc: {  	[smem:$0x3FB0] =	sst s4  }
0xd: {  	[smem:$0x3FB1] =	sst s5  }
0xe: {  	[smem:$0x3FB2] =	sst s6  }
0xf: {  	[smem:$0x3FB3] =	sst s7  }
0x10: {  	[smem:$0x3FB4] =	sst s8  }
0x11: {  	[smem:$0x3FB5] =	sst s9;
	s0 =	simm.s32 @!p0 $0x0  }
0x12: {  	s1 =	sld [smem:$0x3F9B];
	s0 =	simm.s32 @p0 $0x1  }
0x13: {  	[smem:$0x3FB6] =	sst s0;
	s0 =	simm.s32 @!p1 $0x0  }
0x14: {  	s2 =	sld [smem:$0x3F9A];
	s0 =	simm.s32 @p1 $0x1  }
0x15: {  	[smem:$0x3FB7] =	sst s0;
	s0 =	simm.s32 @!p2 $0x0  }
0x16: {  	s3 =	sld [smem:$0x3FDB];
	s0 =	simm.s32 @p2 $0x1  }
0x17: {  	s4 =	simm.s32 $0x1BF5;
	[smem:$0x3FB9] =	sst s0  }
0x18: {  	s0 =	sld [smem:$0x3F9C];
	_ =	swait.ge [sflag:s4], $0x0  }
0x19: {  	s7 =	sld [smem:$0x3F9D]  }
0x1a: {  	s8 =	sadd.s32 $0xFFFFE003, lr  }
0x1b: {  	s9 =	sadd.s32 $0xFFFFFEF7, lr;
	s5 =	simm.s32 $0xFFFFFFFF;
	p2 =	slt.u32 s8, $0xFFFFF086  }
0x1c: {  	p1 =	slt.u32 s9, $0xF7A;
	s5 =	simm.s32 @!p2 $0x0  }
0x1d: {  	s5 =	simm.s32 @p1 $0x1;
	p0 =	seq.s32 s7, s2  }
0x1e: {  	s7 =	smul.u32 @!p0 $0xF7A, s2;
	p2 =	seq.s32 @!p0 s5, $0x0  }
0x1f: {  	s9 =	smul.u32 $0xF7A, s1;
	s8 =	simm.s32 @!p0 $0x1BF5;
	p2 =	por !p2, p0  }
0x20: {  	[sflag:s8] =	ssyncset.s32 @!p0 $0xFFFFF086;
	s6 =	sadd.s32 @!p0 s3, s7;
	s7 =	simm.s32 @!p0 $0x108  }
0x21: {  	s3 =	sadd.s32 s3, s9;
	s6 =	sadd.s32 @!p0 $0x88, s6;
	s7 =	simm.s32 @p2 $0x1082  }
0x22: {  	[simem:s7], [sflag:s8] =	dma.local @!p0 [hbm:s6], $0xF7A  }
0x23: {  	s9 =	sor.u32 $0xD0000000, s2;
	s6 =	simm.s32 $0x108;
	_ =	swait.ge @!p0 [sflag:s8], $0x0  }
0x24: {  	s3 =	sadd.s32 $0x88, s3;
	s6 =	simm.s32 @!p1 $0x1082;
	[sflag:s4] =	ssyncset.s32 $0xFFFFF086  }
0x25: {  	[simem:s6], [sflag:s4] =	dma.local [hbm:s3], $0xF7A  }
0x26: {  	[smem:$0x3F9D] =	sst s1;
	(tag) =	ssettag s2;
	_ =	strace s9  }
0x27: {  	s1 =	sld [smem:$0x3FAD]  }
0x28: {  	s2 =	sld [smem:$0x3FAE]  }
0x29: {  	s4 =	sld [smem:$0x3FB0]  }
0x2a: {  	p0 =	seq.s32 s5, $0x0;
	s5 =	sld [smem:$0x3FB1]  }
0x2b: {  	s6 =	sld [smem:$0x3FB2]  }
0x2c: {  	s7 =	sld [smem:$0x3FB3]  }
0x2d: {  	s3 =	simm.s32 $0x108;
	s8 =	sld [smem:$0x3FB4]  }
0x2e: {  	s3 =	simm.s32 @!p0 $0x1082;
	s9 =	sld [smem:$0x3FB5]  }
0x2f: {  	lr =	sadd.s32 s0, s3;
	s0 =	sld [smem:$0x3FAC]  }
0x30: {  	s3 =	sld [smem:$0x3FAF]  }
0x31: {  	[smem:$0x3FB8] =	sst s10  }
0x32: {  	s10 =	sld [smem:$0x3FB6];
	_ =	sdelay $0x3  }
0x33: {  	p0 =	seq.s32 s10, $0x1;
	s10 =	sld [smem:$0x3FB8];
	_ =	sdelay $0x3  }
0x34: {  	[smem:$0x3FB8] =	sst s10  }
0x35: {  	s10 =	sld [smem:$0x3FB7];
	_ =	sdelay $0x3  }
0x36: {  	p1 =	seq.s32 s10, $0x1;
	s10 =	sld [smem:$0x3FB8];
	_ =	sdelay $0x3  }
0x37: {  	[smem:$0x3FB8] =	sst s10  }
0x38: {  	s10 =	sld [smem:$0x3FB9]  }
0x39: {  	_ = 	snop;
	(pc) =	sbr.ind lr, $3  }
0x3a: {  	_ = 	snop  }
0x3b: {  	_ = 	snop  }
0x3c: {  	p2 =	seq.s32 s10, $0x1;
	s10 =	sld [smem:$0x3FB8]  }
0x3d: {  	_ =	shalt  }
0x3e: {  	_ =	shalt  }
0x3f: {  	_ =	shalt  }
0x40: {  	_ =	shalt  }
0x41: {  	_ =	shalt  }
0x42: {  	_ =	shalt  }
0x43: {  	_ =	shalt  }
0x44: {  	_ =	shalt  }
0x45: {  	_ =	shalt  }
0x46: {  	_ =	shalt  }
0x47: {  	_ =	shalt  }
0x48: {  	_ =	shalt  }
0x49: {  	_ =	shalt  }
0x4a: {  	_ =	shalt  }
0x4b: {  	_ =	shalt  }
0x4c: {  	_ =	shalt  }
0x4d: {  	_ =	shalt  }
0x4e: {  	_ =	shalt  }
0x4f: {  	_ =	shalt  }
0x50: {  	_ =	shalt  }
0x51: {  	_ =	shalt  }
0x52: {  	_ =	shalt  }
0x53: {  	_ =	shalt  }
0x54: {  	_ =	shalt  }
0x55: {  	_ =	shalt  }
0x56: {  	_ =	shalt  }
0x57: {  	_ =	shalt  }
0x58: {  	_ =	shalt  }
0x59: {  	_ =	shalt  }
0x5a: {  	_ =	shalt  }
0x5b: {  	_ =	shalt  }
0x5c: {  	_ =	shalt  }
0x5d: {  	_ =	shalt  }
0x5e: {  	_ =	shalt  }
0x5f: {  	_ =	shalt  }
0x60: {  	_ =	shalt  }
0x61: {  	_ =	shalt  }
0x62: {  	_ =	shalt  }
0x63: {  	_ =	shalt  }
0x64: {  	_ =	shalt  }
0x65: {  	_ =	shalt  }
0x66: {  	_ =	shalt  }
0x67: {  	_ =	shalt  }
0x68: {  	_ =	shalt  }
0x69: {  	_ =	shalt  }
0x6a: {  	_ =	shalt  }
0x6b: {  	_ =	shalt  }
0x6c: {  	_ =	shalt  }
0x6d: {  	_ =	shalt  }
0x6e: {  	_ =	shalt  }
0x6f: {  	_ =	shalt  }
0x70: {  	_ =	shalt  }
0x71: {  	_ =	shalt  }
0x72: {  	_ =	shalt  }
0x73: {  	_ =	shalt  }
0x74: {  	_ =	shalt  }
0x75: {  	_ =	shalt  }
0x76: {  	_ =	shalt  }
0x77: {  	_ =	shalt  }
0x78: {  	_ =	shalt  }
0x79: {  	_ =	shalt  }
0x7a: {  	_ =	shalt  }
0x7b: {  	_ =	shalt  }
0x7c: {  	_ =	shalt  }
0x7d: {  	_ =	shalt  }
0x7e: {  	_ =	shalt  }
0x7f: {  	_ =	shalt  }
0x80: {  	_ =	shalt  }
0x81: {  	_ =	shalt  }
0x82: {  	_ =	shalt  }
0x83: {  	_ =	shalt  }
0x84: {  	_ =	shalt  }
0x85: {  	_ =	shalt  }
0x86: {  	_ =	shalt  }
0x87: {  	_ =	shalt  }
.Lfunc_end0:
.L_simem_size_0:
called_computation.1_lowered:
.L_overlay_start_0:
0x88: {  	s2 =	sld [smem:$0x3FD9]  }
0x89: {  	s3 =	sld [smem:$0x3FFE];
	_ =	sdelay $0x1  }
0x8a: {  	s1 =	srdreg.scid  }
0x8b: {  	s0 =	sand.u32 $0x1, s1  }
0x8c: {  	s16 =	sshll.u32 s0, $0xA;
	s2 =	sadd.s32 s3, s2  }
0x8d: {  	s2 =	sadd.s32 s2, s16  }
0x8e: {  	[smem:$0x3FC4] =	sst s2  }
0x8f: {  	_ = 	snop  }
0x90: {  	(tm) =	ssettm $0x1  }
0x91: {  	s17 =	sld [smem:$0x3FFB];
	_ =	sdelay $0x3  }
0x92: {  	_ =	strace s17  }
0x93: {  	s2 =	sld [smem:$0x3FFC];
	_ =	sdelay $0x3  }
0x94: {  	_ =	strace s2  }
0x95: {  	s2 =	sld [smem:$0x3FFD];
	_ =	sdelay $0x3  }
0x96: {  	_ =	strace s2  }
0x97: {  	_ =	strace $0x8FFFFFFF  }
0x98: {  	s18 =	sld [smem:$0x3FDB];
	_ =	sdelay $0x1  }
0x99: {  	s19 =	simm.s32 $_scs_section_size  }
0x9a: {  	s4 =	simm.s32 $_size__tile_overlayer_lowered;
	s5 =	simm.s32 $_tile_overlayer_lowered  }
0x9b: {  	s22 =	simm.s32 $0x1BFF;
	s21 =	sshll.u32 s5, $0x1;
	s2 =	sadd.s32 s19, s18  }
0x9c: {  	s6 =	simm.s32 $0x0;
	s20 =	sshll.u32 s4, $0x1;
	s4 =	sadd.s32 s21, s2  }
0x9d: {  	[timem:s6], [sflag:s22] =	dma.local [hbm:s4], s20  }
0x9e: {  	_ =	swait.ge [sflag:s22], s20  }
0x9f: {  	s3 =	ssub.s32 $0x0, s20;
	[sflag:s22] =	ssyncset.done $0x0  }
0xa0: {  	[sflag:s22] =	ssyncadd.s32 s3;
	_ =	sdelay $0x1  }
0xa1: {  	s23 =	simm.s32 $0x1B8B  }
0xa2: {  	_ =	swait.ge [sflag:s23], $0x1  }
0xa3: {  	[sflag:s23] =	ssyncset.done $0x0  }
0xa4: {  	s25 =	simm.s32 $0x1B8E;
	s24 =	sld [smem:$0x3FFE];
	[sflag:s23] =	ssyncadd.s32 $0xFFFFFFFF  }
0xa5: {  	s26 =	simm.s32 $execute0_lowered;
	[smem:$0x3FD2] =	sst s25  }
0xa6: {  	s4 =	sshll.u32 s26, $0x1;
	_ =	strace $0x80000049;
	[dreg:$0x1] =	wrdreg $0xFFFFFFFF  }
0xa7: {  	s28 =	simm.s32 $_size_execute0_lowered;
	s2 =	sadd.s32 s2, s4;
	[dreg:$0x0] =	wrdreg $0x0  }
0xa8: {  	s4 =	sshll.u32 s28, $0x1;
	[dreg:$0x2] =	wrdreg s2  }
0xa9: {  	[dreg:$0x3] =	wrdreg s4  }
0xaa: {  	[dreg:$0x4] =	wrdreg $0xC0  }
0xab: {  	_ =	task [dreg:s6], $0x5FFFF  }
0xac: {  	[dreg:$0x1] =	wrdreg $0xFFFFFFFF  }
0xad: {  	[dreg:$0x0] =	wrdreg $0x60  }
0xae: {  	[dreg:$0x2] =	wrdreg s24  }
0xaf: {  	[dreg:$0x3] =	wrdreg $0x95600  }
0xb0: {  	[dreg:$0x4] =	wrdreg $0x9  }
0xb1: {  	_ =	task.clear_ibuf [dreg:s6], $0x5FFFF;
	_ =	strace $0x90000049  }
0xb2: {  	s29 =	simm.s32 $0x9;
	_ =	strace $0x8000004B  }
0xb3: {  	_ =	swait.ge [sflag:s29], $0x1  }
0xb4: {  	[sflag:s29] =	ssyncadd.s32 $0xFFFFFFFF  }
0xb5: {  	_ =	strace $0x9000004B  }
0xb6: {  	_ =	sfence  }
0xb7: {  	s30 =	sld [smem:$0x0];
	_ =	sdelay $0x2  }
0xb8: {  	s31 =	sshll.u32 s1, $0xD;
	s1 =	sshrl.u32 s1, $0x2  }
0xb9: {  	s3 =	sand.u32 $0x4000, s31;
	s1 =	sadd.s32 s1, s30  }
0xba: {  	s0 =	sor.u32 s3, s0;
	s1 =	sshll.u32 s1, $0x11  }
0xbb: {  	s0 =	sor.u32 s1, s0  }
0xbc: {  	s0 =	sadd.s32 $0x8F2B, s0  }
0xbd: {  	[sflag:s0] =	ssyncadd.remote.s32 $0x1  }
0xbe: {  	_ =	sfence.sel $0xFFFF  }
0xbf: {  	[dreg:$0x0] =	wrdreg $0xFFFFFFFF;
	(pc) =	sbr.abs _section_cstart, $3  }
0xc0: {  	[dreg:$0x1] =	wrdreg $0xFFFFFFFF  }
0xc1: {  	_ =	task.clear_ibuf [dreg:s6], $0x2FFFF;
	_ =	strace $0x9FFFFFFF  }
0xc2: {  	(tm) =	ssettm $0x7FFFFFFF  }
0xc3: {  	_ =	shalt  }
tec
execute0_lowered:
.L_overlay_start_1:
0x0: {  	(tag) =	ssettag $0x1  }
0x1: {  	s5 =	rddreg [dreg:$0x0]  }
0x2: {  	s0 =	srdreg.scid;
	s2 =	rddreg [dreg:$0x1];
	s3 =	simm.s32 $0x0  }
0x3: {  	s14 =	simm.s32 $0x3;
	s15 =	simm.s32 $0x2710;
	s16 =	simm.s32 $0x7620  }
0x4: {  	s17 =	simm.s32 $0x50;
	s18 =	simm.s32 $0x4E20;
	s19 =	simm.s32 $0x2760  }
0x5: {  	s20 =	simm.s32 $0x6220;
	s21 =	simm.s32 $0x1;
	s4 =	sand.u32 $0x1, s0  }
0x6: {  	s22 =	simm.s32 $0x2;
	s0 =	stileid.u32;
	s6 =	smul.u32 $0x27100, s4  }
0x7: {  	s23 =	simm.s32 $0x2620;
	s24 =	simm.s32 $0x4DD0;
	s7 =	smul.u32 $0x2710, s0  }
0x8: {  	s25 =	simm.s32 $0x2670;
	s26 =	simm.s32 $0x26C0;
	s8 =	smul.u32 $0x13880, s0  }
0x9: {  	s28 =	simm.s32 $0x0;
	[smem:$0x7FF] =	sst s3;
	s29 =	smul.u32 $0x138800, s4  }
0xa: {  	_ =	strace $0x8000004A;
	s9 =	ssub.s32 $0x2, s4;
	s10 =	smul.u32 $0x27100, s0  }
0xb: {  	s4 =	sadd.s32 $0x15A00, s5;
	s30 =	sshrl.u32 s9, $0x1;
	s6 =	sadd.s32 s7, s6  }
0xc: {  	s7 =	sadd.s32 s8, s29;
	s13 =	ssub.s32 s9, s30;
	s31 =	sshrl.u32 s10, $0x2  }
0xd: {  	s8 =	sshrl.u32 s8, $0x1;
	s6 =	sshrl.u32 s6, $0x3;
	s7 =	sshrl.u32 s7, $0x4  }
0xe: {  	s11 =	sadd.s32 s31, s2;
	s13 =	smax.u32 s13, $0x1;
	s6 =	sadd.s32 s6, s5  }
0xf: {  	s12 =	sadd.s32 s7, s5;
	s7 =	sadd.s32 s8, s2;
	s8 =	sadd.s32 $0x1F40, s11  }
0x10: {  	s9 =	sadd.s32 $0x3E80, s11;
	s10 =	sadd.s32 $0x5DC0, s11;
	s11 =	sadd.s32 $0x7D00, s11  }
0x11: {  	v0 =	vimm.bf16 $0.0e+00;
	s5 =	sadd.s32 $0xBC00, s6;
	s6 =	sadd.s32 $0x1E00, s6;
	s12 =	sadd.s32 $0x29400, s12  }
.LBB2_1:
0x12: {  	[tilespmem:s3], [sflag:$0x3] =	stream.linear.gather [hbm4b:s5+s3], $0x2710, $0x38;
	[tilespmem:$0x131A0] =	vst v63  }
0x13: {  	_ =	swait.ge [sflag:s14], $0x2710  }
0x14: {  	[sflag:s14] =	ssyncset.done $0x0  }
0x15: {  	[sflag:s14] =	ssyncadd.s32 $0xFFFFD8F0  }
0x16: {  	[tilespmem:s15], [sflag:$0x3] =	stream.linear.gather [hbm4b:s6+s3], $0x2710, $0x38;
	[tilespmem:$0x131A0] =	vst v63  }
0x17: {  	s29 =	sand.u32 $0x7F00, s3;
	s30 =	sand.u32 $0x60, s3;
	_ =	swait.ge [sflag:s14], $0x2710  }
0x18: {  	s29 =	sshrl.u32 s29, $0x2;
	s30 =	sshrl.u32 s30, $0x1;
	[sflag:s14] =	ssyncset.done $0x0  }
0x19: {  	s30 =	sor.u32 s30, s29;
	[sflag:s14] =	ssyncadd.s32 $0xFFFFD8F0  }
0x1a: {  	s29 =	simm.s32 $0x40;
	[tilespmem:s30+$0x7620] =	vst v0;
	s30 =	simm.s32 $0x0  }
.LBB2_2:
0x1b: {  	p0 =	sne.s32 s29, $0x7CC0  }
.Ltmp0:
0x1c: {  	s31 =	sand.u32 $0x7F00, s29;
	s30 =	sadd.s32 $0x20, s30;
	(pc) =	sbr.rel @p0 .LBB2_2-.Ltmp0, $4  }
0x1d: {  	s29 =	sadd.s32 $0x40, s29;
	s1 =	sand.u32 $0x60, s30  }
0x1e: {  	s31 =	sshrl.u32 s31, $0x2;
	s1 =	sshrl.u32 s1, $0x1  }
0x1f: {  	s1 =	sor.u32 s1, s31  }
0x20: {  	[tilespmem:s1+$0x7620] =	vst v0  }
0x21: {  	[spmem:s7] =	stream.linear.scatter [tilespmem:s16], [sflag:$0x3], $0x1F40, $0x38;
	[tilespmem:$0x131A0] =	vst v63  }
0x22: {  	_ =	swait.ge [sflag:s14], $0x1F40  }
0x23: {  	[sflag:s14] =	ssyncset.done $0x0  }
0x24: {  	[sflag:s14] =	ssyncadd.s32 $0xFFFFE0C0  }
0x25: {  	[spmem:s8] =	stream.linear.scatter [tilespmem:s16], [sflag:$0x3], $0x1F40, $0x38;
	[tilespmem:$0x131A0] =	vst v63  }
0x26: {  	_ =	swait.ge [sflag:s14], $0x1F40  }
0x27: {  	[sflag:s14] =	ssyncset.done $0x0  }
0x28: {  	[sflag:s14] =	ssyncadd.s32 $0xFFFFE0C0  }
0x29: {  	[spmem:s9] =	stream.linear.scatter [tilespmem:s16], [sflag:$0x3], $0x1F40, $0x38;
	[tilespmem:$0x131A0] =	vst v63  }
0x2a: {  	_ =	swait.ge [sflag:s14], $0x1F40  }
0x2b: {  	[sflag:s14] =	ssyncset.done $0x0  }
0x2c: {  	[sflag:s14] =	ssyncadd.s32 $0xFFFFE0C0  }
0x2d: {  	[spmem:s10] =	stream.linear.scatter [tilespmem:s16], [sflag:$0x3], $0x1F40, $0x38;
	[tilespmem:$0x131A0] =	vst v63  }
0x2e: {  	_ =	swait.ge [sflag:s14], $0x1F40  }
0x2f: {  	[sflag:s14] =	ssyncset.done $0x0  }
0x30: {  	[sflag:s14] =	ssyncadd.s32 $0xFFFFE0C0  }
0x31: {  	[spmem:s11] =	stream.linear.scatter [tilespmem:s16], [sflag:$0x3], $0x1F40, $0x38;
	[tilespmem:$0x131A0] =	vst v63  }
0x32: {  	_ =	swait.ge [sflag:s14], $0x1F40  }
0x33: {  	[sflag:s14] =	ssyncset.done $0x0  }
0x34: {  	[sflag:s14] =	ssyncadd.s32 $0xFFFFE0C0  }
0x35: {  	[bflag:$0x0] =	sbarrier.arrive $0xFFFF  }
0x36: {  	[tilespmem:s18], [sflag:$0x1] =	stream.indirect.gather [hbm4b:s4+s17], $0x40, s15, s17, $0xb8;
	[tilespmem:$0x131A0] =	vst v63  }
0x37: {  	_ = 	snop  }
0x38: {  	[tilespmem:s20], [sflag:$0x2] =	stream.indirect.gather [hbm4b:s4+s17], $0x40, s19, s17, $0xb8;
	[tilespmem:$0x131A0] =	vst v63  }
0x39: {  	_ =	swait.ge [sflag:s21], $0x1400  }
0x3a: {  	[sflag:s21] =	ssyncset.done $0x0  }
0x3b: {  	s1 =	simm.s32 $0x0;
	[sflag:s21] =	ssyncadd.s32 $0xFFFFEC00  }
0x3c: {  	[spmem:s2] =	stream.indirect.scatter.add.bf16 [tilespmem:s18], [sflag:$0x3], $0x40, s1, s17, $0xb8;
	[tilespmem:$0x131A0] =	vst v63  }
0x3d: {  	_ =	swait.ge [sflag:s14], $0x1400  }
0x3e: {  	[sflag:s14] =	ssyncset.done $0x0  }
0x3f: {  	s31 =	simm.s32 $0x27B0;
	[sflag:s14] =	ssyncadd.s32 $0xFFFFEC00  }
0x40: {  	[tilespmem:s18], [sflag:$0x1] =	stream.indirect.gather [hbm4b:s4+s17], $0x40, s31, s17, $0xb8;
	[tilespmem:$0x131A0] =	vst v63  }
0x41: {  	_ =	swait.ge [sflag:s22], $0x1400  }
0x42: {  	[sflag:s22] =	ssyncset.done $0x0  }
0x43: {  	s31 =	simm.s32 $0x50;
	[sflag:s22] =	ssyncadd.s32 $0xFFFFEC00  }
0x44: {  	[spmem:s2] =	stream.indirect.scatter.add.bf16 [tilespmem:s20], [sflag:$0x3], $0x40, s31, s17, $0xb8;
	[tilespmem:$0x131A0] =	vst v63  }
0x45: {  	_ =	swait.ge [sflag:s14], $0x1400  }
0x46: {  	[sflag:s14] =	ssyncset.done $0x0  }
0x47: {  	s29 =	simm.s32 $0x280;
	s30 =	simm.s32 $0x2800;
	[sflag:s14] =	ssyncadd.s32 $0xFFFFEC00  }
.LBB2_4:
0x48: {  	[tilespmem:s20], [sflag:$0x2] =	stream.indirect.gather [hbm4b:s4+s17], $0x40, s30, s17, $0xb8;
	[tilespmem:$0x131A0] =	vst v63  }
0x49: {  	s1 =	smov.u32 s29  }
0x4a: {  	p0 =	sne.s32 s29, $0x9600;
	s29 =	sadd.s32 $0x280, s29;
	_ =	swait.ge [sflag:s21], $0x1400  }
0x4b: {  	[sflag:s21] =	ssyncset.done $0x0  }
0x4c: {  	s1 =	sshra.s32 s1, $0x2;
	[sflag:s21] =	ssyncadd.s32 $0xFFFFEC00  }
0x4d: {  	[spmem:s2] =	stream.indirect.scatter.add.bf16 [tilespmem:s18], [sflag:$0x3], $0x40, s1, s17, $0xb8;
	[tilespmem:$0x131A0] =	vst v63  }
0x4e: {  	_ =	swait.ge [sflag:s14], $0x1400  }
0x4f: {  	[sflag:s14] =	ssyncset.done $0x0  }
0x50: {  	s30 =	sadd.s32 $0x27B0, s1;
	[sflag:s14] =	ssyncadd.s32 $0xFFFFEC00  }
0x51: {  	[tilespmem:s18], [sflag:$0x1] =	stream.indirect.gather [hbm4b:s4+s17], $0x40, s30, s17, $0xb8;
	[tilespmem:$0x131A0] =	vst v63  }
0x52: {  	_ =	swait.ge [sflag:s22], $0x1400  }
0x53: {  	[sflag:s22] =	ssyncset.done $0x0  }
.Ltmp1:
0x54: {  	s30 =	sadd.s32 $0x50, s1;
	[sflag:s22] =	ssyncadd.s32 $0xFFFFEC00;
	(pc) =	sbr.rel @p0 .LBB2_4-.Ltmp1, $4  }
0x55: {  	[spmem:s2] =	stream.indirect.scatter.add.bf16 [tilespmem:s20], [sflag:$0x3], $0x40, s30, s17, $0xb8;
	[tilespmem:$0x131A0] =	vst v63  }
0x56: {  	_ =	swait.ge [sflag:s14], $0x1400  }
0x57: {  	[sflag:s14] =	ssyncset.done $0x0  }
0x58: {  	s30 =	sadd.s32 $0x2800, s1;
	[sflag:s14] =	ssyncadd.s32 $0xFFFFEC00  }
0x59: {  	[tilespmem:s20], [sflag:$0x2] =	stream.indirect.gather [hbm4b:s4+s17], $0x40, s30, s17, $0xb8;
	[tilespmem:$0x131A0] =	vst v63  }
0x5a: {  	_ =	swait.ge [sflag:s21], $0x1400  }
0x5b: {  	[sflag:s21] =	ssyncset.done $0x0  }
0x5c: {  	[sflag:s21] =	ssyncadd.s32 $0xFFFFEC00  }
0x5d: {  	[spmem:s2] =	stream.indirect.scatter.add.bf16 [tilespmem:s18], [sflag:$0x3], $0x40, s23, s17, $0xb8;
	[tilespmem:$0x131A0] =	vst v63  }
0x5e: {  	_ =	swait.ge [sflag:s14], $0x1400  }
0x5f: {  	[sflag:s14] =	ssyncset.done $0x0  }
0x60: {  	[sflag:s14] =	ssyncadd.s32 $0xFFFFEC00  }
0x61: {  	[tilespmem:s18], [sflag:$0x1] =	stream.indirect.gather [hbm4b:s4+s17], $0x40, s24, s17, $0xb8;
	[tilespmem:$0x131A0] =	vst v63  }
0x62: {  	_ =	swait.ge [sflag:s22], $0x1400  }
0x63: {  	[sflag:s22] =	ssyncset.done $0x0  }
0x64: {  	[sflag:s22] =	ssyncadd.s32 $0xFFFFEC00  }
0x65: {  	[spmem:s2] =	stream.indirect.scatter.add.bf16 [tilespmem:s20], [sflag:$0x3], $0x40, s25, s17, $0xb8;
	[tilespmem:$0x131A0] =	vst v63  }
0x66: {  	_ =	swait.ge [sflag:s14], $0x1400  }
0x67: {  	[sflag:s14] =	ssyncset.done $0x0  }
0x68: {  	[sflag:s14] =	ssyncadd.s32 $0xFFFFEC00  }
0x69: {  	[tilespmem:s20], [sflag:$0x2] =	stream.indirect.gather [hbm4b:s4+s17], $0x40, s24, s17, $0xb8;
	[tilespmem:$0x131A0] =	vst v63  }
0x6a: {  	_ =	swait.ge [sflag:s21], $0x1400  }
0x6b: {  	[sflag:s21] =	ssyncset.done $0x0  }
0x6c: {  	[sflag:s21] =	ssyncadd.s32 $0xFFFFEC00  }
0x6d: {  	[spmem:s2] =	stream.indirect.scatter.add.bf16 [tilespmem:s18], [sflag:$0x3], $0x40, s26, s17, $0xb8;
	[tilespmem:$0x131A0] =	vst v63  }
0x6e: {  	_ =	swait.ge [sflag:s14], $0x1400  }
0x6f: {  	[sflag:s14] =	ssyncset.done $0x0  }
0x70: {  	[sflag:s14] =	ssyncadd.s32 $0xFFFFEC00  }
0x71: {  	_ =	swait.ge [sflag:s22], $0x1400  }
0x72: {  	s1 =	sshll.u32 s0, $0x6;
	s28 =	sadd.s32 $0x1, s28;
	[sflag:s22] =	ssyncset.done $0x0  }
0x73: {  	s29 =	sshrl.u32 s7, $0x3;
	p0 =	sne.s32 s28, s13;
	[sflag:s22] =	ssyncadd.s32 $0xFFFFEC00  }
.Ltmp2:
0x74: {  	s1 =	sor.u32 $0x1C03, s1;
	[bflag:$0x0] =	sbarrier.arrive $0xFFFF;
	(pc) =	sbr.rel @p0 .LBB2_1-.Ltmp2, $4  }
0x75: {  	[hbm:s12], [sflag:s1] =	dma.local [spmem:s29], $0x1388  }
0x76: {  	_ =	swait.ge [sflag:s14], $0x1388  }
0x77: {  	[sflag:s14] =	ssyncset.done $0x0  }
0x78: {  	[sflag:s14] =	ssyncadd.s32 $0xFFFFEC78  }
0x79: {  	_ =	sfence.sel $0x180000  }
0x7a: {  	[bflag:$0x0] =	sbarrier.arrive $0xFFFF  }
0x7b: {  	_ =	strace $0x9000004A  }
0x7c: {  	[bflag:$0x2] =	sbarrier.arrive $0xFFFF  }
0x7d: {  	p0 =	sne.s32 s0, $0x0;
	s0 =	rddreg [dreg:$0x2]  }
0x7e: {  	s0 =	sadd.s32 @!p0 $0x100000, s0  }
0x7f: {  	[sflag:s0] =	ssyncadd.tile.s32 @!p0 $0x1;
	_ =	shalt  }
.Lfunc_end2:
_tile_overlayer_lowered:
.L_overlay_start_2:
0x80: {  	(tag) =	ssettag $0x2  }
0x81: {  	s0 =	rddreg [dreg:$0x0];
	s2 =	stileid.u32  }
0x82: {  	s1 =	rddreg [dreg:$0x1];
	p0 =	sne.s32 s2, $0x0  }
0x83: {  	s3 =	rddreg [dreg:$0x2];
	[bflag:$0x3] =	sbarrier.arrive $0xFFFF;
	s2 =	simm.s32 @!p0 $0x1C03  }
0x84: {  	[timem:s3], [sflag:s2] =	dma.local @!p0 [hbm:s0], s1  }
0x85: {  	s0 =	simm.s32 @!p0 $0x3  }
0x86: {  	_ =	swait.ge @!p0 [sflag:s0], s1  }
0x87: {  	s1 =	ssub.s32 @!p0 $0x0, s1;
	[sflag:s0] =	ssyncset.done @!p0 $0x0  }
0x88: {  	[sflag:s0] =	ssyncadd.s32 @!p0 s1  }
0x89: {  	[bflag:$0x3] =	sbarrier.arrive $0xFFFF  }
0x8a: {  	_ =	shalt  }

// kernel: kernel.15.cloned.1.call-start
scs
__scs_entry_jumppad:
0x0: {  	(pc) =	sbr.rel $0x88, $3  }
0x1: {  	(tag) =	ssettag $0x0;
	lr =	simm.s32 $0x1  }
0x2: {  	[smem:$0x3F9D] =	sst lr;
	_ =	strace $0xD0000000  }
0x3: {  	_ = 	snop  }
0x4: {  	_ = 	snop  }
0x5: {  	_ = 	snop  }
0x6: {  	_ = 	snop  }
0x7: {  	_ = 	snop  }
__scs_overlays_trampoline_lowered:
0x8: {  	[smem:$0x3FAC] =	sst s0  }
0x9: {  	[smem:$0x3FAD] =	sst s1  }
0xa: {  	[smem:$0x3FAE] =	sst s2  }
0xb: {  	[smem:$0x3FAF] =	sst s3  }
0xc: {  	[smem:$0x3FB0] =	sst s4  }
0xd: {  	[smem:$0x3FB1] =	sst s5  }
0xe: {  	[smem:$0x3FB2] =	sst s6  }
0xf: {  	[smem:$0x3FB3] =	sst s7  }
0x10: {  	[smem:$0x3FB4] =	sst s8  }
0x11: {  	[smem:$0x3FB5] =	sst s9;
	s0 =	simm.s32 @!p0 $0x0  }
0x12: {  	s1 =	sld [smem:$0x3F9B];
	s0 =	simm.s32 @p0 $0x1  }
0x13: {  	[smem:$0x3FB6] =	sst s0;
	s0 =	simm.s32 @!p1 $0x0  }
0x14: {  	s2 =	sld [smem:$0x3F9A];
	s0 =	simm.s32 @p1 $0x1  }
0x15: {  	[smem:$0x3FB7] =	sst s0;
	s0 =	simm.s32 @!p2 $0x0  }
0x16: {  	s3 =	sld [smem:$0x3FDB];
	s0 =	simm.s32 @p2 $0x1  }
0x17: {  	s4 =	simm.s32 $0x1BF5;
	[smem:$0x3FB9] =	sst s0  }
0x18: {  	s0 =	sld [smem:$0x3F9C];
	_ =	swait.ge [sflag:s4], $0x0  }
0x19: {  	s7 =	sld [smem:$0x3F9D]  }
0x1a: {  	s8 =	sadd.s32 $0xFFFFE003, lr  }
0x1b: {  	s9 =	sadd.s32 $0xFFFFFEF7, lr;
	s5 =	simm.s32 $0xFFFFFFFF;
	p2 =	slt.u32 s8, $0xFFFFF086  }
0x1c: {  	p1 =	slt.u32 s9, $0xF7A;
	s5 =	simm.s32 @!p2 $0x0  }
0x1d: {  	s5 =	simm.s32 @p1 $0x1;
	p0 =	seq.s32 s7, s2  }
0x1e: {  	s7 =	smul.u32 @!p0 $0xF7A, s2;
	p2 =	seq.s32 @!p0 s5, $0x0  }
0x1f: {  	s9 =	smul.u32 $0xF7A, s1;
	s8 =	simm.s32 @!p0 $0x1BF5;
	p2 =	por !p2, p0  }
0x20: {  	[sflag:s8] =	ssyncset.s32 @!p0 $0xFFFFF086;
	s6 =	sadd.s32 @!p0 s3, s7;
	s7 =	simm.s32 @!p0 $0x108  }
0x21: {  	s3 =	sadd.s32 s3, s9;
	s6 =	sadd.s32 @!p0 $0x88, s6;
	s7 =	simm.s32 @p2 $0x1082  }
0x22: {  	[simem:s7], [sflag:s8] =	dma.local @!p0 [hbm:s6], $0xF7A  }
0x23: {  	s9 =	sor.u32 $0xD0000000, s2;
	s6 =	simm.s32 $0x108;
	_ =	swait.ge @!p0 [sflag:s8], $0x0  }
0x24: {  	s3 =	sadd.s32 $0x88, s3;
	s6 =	simm.s32 @!p1 $0x1082;
	[sflag:s4] =	ssyncset.s32 $0xFFFFF086  }
0x25: {  	[simem:s6], [sflag:s4] =	dma.local [hbm:s3], $0xF7A  }
0x26: {  	[smem:$0x3F9D] =	sst s1;
	(tag) =	ssettag s2;
	_ =	strace s9  }
0x27: {  	s1 =	sld [smem:$0x3FAD]  }
0x28: {  	s2 =	sld [smem:$0x3FAE]  }
0x29: {  	s4 =	sld [smem:$0x3FB0]  }
0x2a: {  	p0 =	seq.s32 s5, $0x0;
	s5 =	sld [smem:$0x3FB1]  }
0x2b: {  	s6 =	sld [smem:$0x3FB2]  }
0x2c: {  	s7 =	sld [smem:$0x3FB3]  }
0x2d: {  	s3 =	simm.s32 $0x108;
	s8 =	sld [smem:$0x3FB4]  }
0x2e: {  	s3 =	simm.s32 @!p0 $0x1082;
	s9 =	sld [smem:$0x3FB5]  }
0x2f: {  	lr =	sadd.s32 s0, s3;
	s0 =	sld [smem:$0x3FAC]  }
0x30: {  	s3 =	sld [smem:$0x3FAF]  }
0x31: {  	[smem:$0x3FB8] =	sst s10  }
0x32: {  	s10 =	sld [smem:$0x3FB6];
	_ =	sdelay $0x3  }
0x33: {  	p0 =	seq.s32 s10, $0x1;
	s10 =	sld [smem:$0x3FB8];
	_ =	sdelay $0x3  }
0x34: {  	[smem:$0x3FB8] =	sst s10  }
0x35: {  	s10 =	sld [smem:$0x3FB7];
	_ =	sdelay $0x3  }
0x36: {  	p1 =	seq.s32 s10, $0x1;
	s10 =	sld [smem:$0x3FB8];
	_ =	sdelay $0x3  }
0x37: {  	[smem:$0x3FB8] =	sst s10  }
0x38: {  	s10 =	sld [smem:$0x3FB9]  }
0x39: {  	_ = 	snop;
	(pc) =	sbr.ind lr, $3  }
0x3a: {  	_ = 	snop  }
0x3b: {  	_ = 	snop  }
0x3c: {  	p2 =	seq.s32 s10, $0x1;
	s10 =	sld [smem:$0x3FB8]  }
0x3d: {  	_ =	shalt  }
0x3e: {  	_ =	shalt  }
0x3f: {  	_ =	shalt  }
0x40: {  	_ =	shalt  }
0x41: {  	_ =	shalt  }
0x42: {  	_ =	shalt  }
0x43: {  	_ =	shalt  }
0x44: {  	_ =	shalt  }
0x45: {  	_ =	shalt  }
0x46: {  	_ =	shalt  }
0x47: {  	_ =	shalt  }
0x48: {  	_ =	shalt  }
0x49: {  	_ =	shalt  }
0x4a: {  	_ =	shalt  }
0x4b: {  	_ =	shalt  }
0x4c: {  	_ =	shalt  }
0x4d: {  	_ =	shalt  }
0x4e: {  	_ =	shalt  }
0x4f: {  	_ =	shalt  }
0x50: {  	_ =	shalt  }
0x51: {  	_ =	shalt  }
0x52: {  	_ =	shalt  }
0x53: {  	_ =	shalt  }
0x54: {  	_ =	shalt  }
0x55: {  	_ =	shalt  }
0x56: {  	_ =	shalt  }
0x57: {  	_ =	shalt  }
0x58: {  	_ =	shalt  }
0x59: {  	_ =	shalt  }
0x5a: {  	_ =	shalt  }
0x5b: {  	_ =	shalt  }
0x5c: {  	_ =	shalt  }
0x5d: {  	_ =	shalt  }
0x5e: {  	_ =	shalt  }
0x5f: {  	_ =	shalt  }
0x60: {  	_ =	shalt  }
0x61: {  	_ =	shalt  }
0x62: {  	_ =	shalt  }
0x63: {  	_ =	shalt  }
0x64: {  	_ =	shalt  }
0x65: {  	_ =	shalt  }
0x66: {  	_ =	shalt  }
0x67: {  	_ =	shalt  }
0x68: {  	_ =	shalt  }
0x69: {  	_ =	shalt  }
0x6a: {  	_ =	shalt  }
0x6b: {  	_ =	shalt  }
0x6c: {  	_ =	shalt  }
0x6d: {  	_ =	shalt  }
0x6e: {  	_ =	shalt  }
0x6f: {  	_ =	shalt  }
0x70: {  	_ =	shalt  }
0x71: {  	_ =	shalt  }
0x72: {  	_ =	shalt  }
0x73: {  	_ =	shalt  }
0x74: {  	_ =	shalt  }
0x75: {  	_ =	shalt  }
0x76: {  	_ =	shalt  }
0x77: {  	_ =	shalt  }
0x78: {  	_ =	shalt  }
0x79: {  	_ =	shalt  }
0x7a: {  	_ =	shalt  }
0x7b: {  	_ =	shalt  }
0x7c: {  	_ =	shalt  }
0x7d: {  	_ =	shalt  }
0x7e: {  	_ =	shalt  }
0x7f: {  	_ =	shalt  }
0x80: {  	_ =	shalt  }
0x81: {  	_ =	shalt  }
0x82: {  	_ =	shalt  }
0x83: {  	_ =	shalt  }
0x84: {  	_ =	shalt  }
0x85: {  	_ =	shalt  }
0x86: {  	_ =	shalt  }
0x87: {  	_ =	shalt  }
.Lfunc_end0:
.L_simem_size_0:
called_computation.2_lowered:
.L_overlay_start_0:
0x88: {  	s2 =	sld [smem:$0x3FD9]  }
0x89: {  	s3 =	sld [smem:$0x3FFE];
	_ =	sdelay $0x1  }
0x8a: {  	s1 =	srdreg.scid  }
0x8b: {  	s0 =	sand.u32 $0x1, s1  }
0x8c: {  	s17 =	sshll.u32 s0, $0xA;
	s2 =	sadd.s32 s3, s2  }
0x8d: {  	s2 =	sadd.s32 s2, s17  }
0x8e: {  	[smem:$0x3FC4] =	sst s2  }
0x8f: {  	_ = 	snop  }
0x90: {  	s2 =	sld [smem:$0x3FD0];
	(tm) =	ssettm $0x1  }
0x91: {  	s18 =	sld [smem:$0x3FFB];
	_ =	sdelay $0x3  }
0x92: {  	_ =	strace s18  }
0x93: {  	s3 =	sld [smem:$0x3FFC];
	_ =	sdelay $0x3  }
0x94: {  	_ =	strace s3  }
0x95: {  	s3 =	sld [smem:$0x3FFD];
	_ =	sdelay $0x3  }
0x96: {  	_ =	strace s3  }
0x97: {  	_ =	strace $0x8FFFFFFF  }
0x98: {  	s19 =	sld [smem:$0x3FDB];
	_ =	sdelay $0x1  }
0x99: {  	s4 =	simm.s32 $_scs_section_size  }
0x9a: {  	s5 =	simm.s32 $_size__tile_overlayer_lowered;
	s6 =	simm.s32 $_tile_overlayer_lowered  }
0x9b: {  	s22 =	simm.s32 $0x1BFF;
	s21 =	sshll.u32 s6, $0x1;
	s3 =	sadd.s32 s4, s19  }
0x9c: {  	s7 =	simm.s32 $0x0;
	s20 =	sshll.u32 s5, $0x1;
	s5 =	sadd.s32 s21, s3  }
0x9d: {  	[timem:s7], [sflag:s22] =	dma.local [hbm:s5], s20  }
0x9e: {  	_ =	swait.ge [sflag:s22], s20  }
0x9f: {  	s4 =	ssub.s32 $0x0, s20;
	[sflag:s22] =	ssyncset.done $0x0  }
0xa0: {  	[sflag:s22] =	ssyncadd.s32 s4;
	_ =	sdelay $0x1  }
0xa1: {  	s23 =	simm.s32 $0x1B8B  }
0xa2: {  	_ =	swait.ge [sflag:s23], $0x1  }
0xa3: {  	[sflag:s23] =	ssyncset.done $0x0  }
0xa4: {  	s25 =	simm.s32 $0x1B8E;
	s24 =	sld [smem:$0x3FFE];
	[sflag:s23] =	ssyncadd.s32 $0xFFFFFFFF  }
0xa5: {  	s26 =	simm.s32 $execute0_lowered;
	[smem:$0x3FD2] =	sst s25  }
0xa6: {  	s5 =	sshll.u32 s26, $0x1;
	_ =	strace $0x8000004C;
	[dreg:$0x1] =	wrdreg $0xFFFFFFFF  }
0xa7: {  	s28 =	simm.s32 $_size_execute0_lowered;
	s3 =	sadd.s32 s3, s5;
	[dreg:$0x0] =	wrdreg $0x0  }
0xa8: {  	s5 =	sshll.u32 s28, $0x1;
	[dreg:$0x2] =	wrdreg s3  }
0xa9: {  	[dreg:$0x3] =	wrdreg s5  }
0xaa: {  	[dreg:$0x4] =	wrdreg $0xC0  }
0xab: {  	_ =	task [dreg:s7], $0x5FFFF  }
0xac: {  	[dreg:$0x1] =	wrdreg $0xFFFFFFFF  }
0xad: {  	[dreg:$0x0] =	wrdreg $0x60  }
0xae: {  	[dreg:$0x2] =	wrdreg s24  }
0xaf: {  	[dreg:$0x3] =	wrdreg s2  }
0xb0: {  	[dreg:$0x4] =	wrdreg $0x95600  }
0xb1: {  	[dreg:$0x5] =	wrdreg $0x9  }
0xb2: {  	_ =	task.clear_ibuf [dreg:s7], $0x6FFFF;
	_ =	strace $0x9000004C  }
0xb3: {  	s29 =	simm.s32 $0x9;
	_ =	strace $0x8000004E  }
0xb4: {  	_ =	swait.ge [sflag:s29], $0x1  }
0xb5: {  	[sflag:s29] =	ssyncadd.s32 $0xFFFFFFFF  }
0xb6: {  	_ =	strace $0x9000004E  }
0xb7: {  	_ =	sfence  }
0xb8: {  	s30 =	sld [smem:$0x0];
	_ =	sdelay $0x2  }
0xb9: {  	s31 =	sshll.u32 s1, $0xD;
	s1 =	sshrl.u32 s1, $0x2  }
0xba: {  	s3 =	sand.u32 $0x4000, s31;
	s1 =	sadd.s32 s1, s30  }
0xbb: {  	s0 =	sor.u32 s3, s0;
	s1 =	sshll.u32 s1, $0x11  }
0xbc: {  	s0 =	sor.u32 s1, s0  }
0xbd: {  	s0 =	sadd.s32 $0x8F2B, s0  }
0xbe: {  	[sflag:s0] =	ssyncadd.remote.s32 $0x1  }
0xbf: {  	_ =	sfence.sel $0xFFFF  }
0xc0: {  	[dreg:$0x0] =	wrdreg $0xFFFFFFFF;
	(pc) =	sbr.abs _section_cstart, $3  }
0xc1: {  	[dreg:$0x1] =	wrdreg $0xFFFFFFFF  }
0xc2: {  	_ =	task.clear_ibuf [dreg:s7], $0x2FFFF;
	_ =	strace $0x9FFFFFFF  }
0xc3: {  	(tm) =	ssettm $0x7FFFFFFF  }
tec
execute0_lowered:
.L_overlay_start_1:
0x0: {  	(tag) =	ssettag $0x1  }
0x1: {  	s6 =	rddreg [dreg:$0x0];
	s0 =	srdreg.scid  }
0x2: {  	s25 =	stileid.u32;
	s3 =	rddreg [dreg:$0x2];
	s4 =	simm.s32 $0x0  }
0x3: {  	s16 =	simm.s32 $0x3;
	s17 =	simm.s32 $0x2710;
	s18 =	simm.s32 $0x131A0  }
0x4: {  	s19 =	simm.s32 $0x7620;
	s20 =	simm.s32 $0x50;
	s8 =	smul.u32 $0x2710, s25  }
0x5: {  	s21 =	simm.s32 $0x4E20;
	s22 =	simm.s32 $0x2760;
	s26 =	smul.u32 $0x13880, s25  }
0x6: {  	s23 =	simm.s32 $0x6220;
	s7 =	sand.u32 $0x1, s0;
	s12 =	smul.u32 $0x27100, s25  }
0x7: {  	s24 =	simm.s32 $0x1;
	s28 =	simm.s32 $0x26C0;
	s5 =	smul.u32 $0x27100, s7  }
0x8: {  	s29 =	simm.s32 $0x0;
	[smem:$0x7FF] =	sst s4;
	s9 =	smul.u32 $0x138800, s7  }
0x9: {  	s10 =	sshll.u32 s7, $0x4;
	_ =	strace $0x8000004D;
	s7 =	ssub.s32 $0x2, s7  }
0xa: {  	s10 =	sor.u32 s25, s10;
	s30 =	sshrl.u32 s7, $0x1;
	s31 =	sshrl.u32 s12, $0x2  }
0xb: {  	s25 =	simm.s32 $0x158B0;
	s5 =	sadd.s32 s8, s5;
	s9 =	sadd.s32 s26, s9  }
0xc: {  	s10 =	smul.u32 $0x4E2, s10;
	s15 =	ssub.s32 s7, s30;
	s8 =	sshrl.u32 s26, $0x1  }
0xd: {  	s12 =	sadd.s32 s31, s3;
	s26 =	simm.s32 $0x2;
	s5 =	sshrl.u32 s5, $0x3  }
0xe: {  	s9 =	sshrl.u32 s9, $0x4;
	s8 =	sadd.s32 s8, s3;
	s15 =	smax.u32 s15, $0x1  }
0xf: {  	s11 =	sadd.s32 s5, s6;
	s5 =	sadd.s32 $0x15A00, s6;
	s14 =	sadd.s32 s9, s6  }
0x10: {  	s13 =	sadd.s32 s10, s6;
	s9 =	sadd.s32 $0x1F40, s12;
	s10 =	sadd.s32 $0x3E80, s12  }
0x11: {  	s6 =	sadd.s32 $0xBC00, s11;
	s7 =	sadd.s32 $0x1E00, s11;
	s11 =	sadd.s32 $0x5DC0, s12  }
0x12: {  	v0 =	vimm.f32 $0.0e+00;
	v1 =	vimm.bf16 $0.0e+00;
	s12 =	sadd.s32 $0x7D00, s12;
	s13 =	sadd.s32 $0x50600, s13;
	s14 =	sadd.s32 $0x29400, s14  }
.LBB2_1:
0x13: {  	[tilespmem:s4], [sflag:$0x3] =	stream.linear.gather [hbm4b:s6+s4], $0x2710, $0x38;
	[tilespmem:$0x17FC0] =	vst v63  }
0x14: {  	_ =	swait.ge [sflag:s16], $0x2710  }
0x15: {  	[sflag:s16] =	ssyncset.done $0x0  }
0x16: {  	[sflag:s16] =	ssyncadd.s32 $0xFFFFD8F0  }
0x17: {  	[tilespmem:s17], [sflag:$0x3] =	stream.linear.gather [hbm4b:s7+s4], $0x2710, $0x38;
	[tilespmem:$0x17FC0] =	vst v63  }
0x18: {  	_ =	swait.ge [sflag:s16], $0x2710  }
0x19: {  	[sflag:s16] =	ssyncset.done $0x0  }
0x1a: {  	[sflag:s16] =	ssyncadd.s32 $0xFFFFD8F0  }
0x1b: {  	s0 =	rddreg [dreg:$0x1]  }
0x1c: {  	[tilespmem:s18], [sflag:$0x3] =	stream.linear.gather [hbm4b:s0+s4], $0x2710, $0x38;
	[tilespmem:$0x17FC0] =	vst v63  }
0x1d: {  	_ =	swait.ge [sflag:s16], $0x2710  }
0x1e: {  	[sflag:s16] =	ssyncset.done $0x0  }
0x1f: {  	s30 =	simm.s32 $0x0;
	[sflag:s16] =	ssyncadd.s32 $0xFFFFD8F0  }
.LBB2_2:
0x20: {  	p0 =	sne.s32 s30, $0x9C00  }
.Ltmp0:
0x21: {  	_ = 	snop;
	(pc) =	sbr.rel @p0 .LBB2_2-.Ltmp0, $3  }
0x22: {  	_ =	sdelay $0x1  }
0x23: {  	s31 =	sshra.s32 s30, $0x2  }
0x24: {  	s30 =	sadd.s32 $0x40, s30;
	[tilespmem:s31+$0x158B0] =	vst v0  }
0x25: {  	s30 =	simm.s32 $0x0  }
0x26: {  	s31 =	sand.u32 $0x7F00, s30;
	s1 =	sand.u32 $0x60, s30  }
0x27: {  	s31 =	sshrl.u32 s31, $0x2;
	s1 =	sshrl.u32 s1, $0x1  }
0x28: {  	s1 =	sor.u32 s1, s31  }
0x29: {  	s31 =	simm.s32 $0x40;
	[tilespmem:s1+$0x7620] =	vst v1  }
.LBB2_4:
0x2a: {  	p0 =	sne.s32 s31, $0x7CC0  }
.Ltmp1:
0x2b: {  	s1 =	sand.u32 $0x7F00, s31;
	s30 =	sadd.s32 $0x20, s30;
	(pc) =	sbr.rel @p0 .LBB2_4-.Ltmp1, $4  }
0x2c: {  	s31 =	sadd.s32 $0x40, s31;
	s2 =	sand.u32 $0x60, s30  }
0x2d: {  	s1 =	sshrl.u32 s1, $0x2;
	s2 =	sshrl.u32 s2, $0x1  }
0x2e: {  	s1 =	sor.u32 s2, s1  }
0x2f: {  	[tilespmem:s1+$0x7620] =	vst v1  }
0x30: {  	[spmem:s8] =	stream.linear.scatter [tilespmem:s19], [sflag:$0x3], $0x1F40, $0x38;
	[tilespmem:$0x17FC0] =	vst v63  }
0x31: {  	_ =	swait.ge [sflag:s16], $0x1F40  }
0x32: {  	[sflag:s16] =	ssyncset.done $0x0  }
0x33: {  	[sflag:s16] =	ssyncadd.s32 $0xFFFFE0C0  }
0x34: {  	[spmem:s9] =	stream.linear.scatter [tilespmem:s19], [sflag:$0x3], $0x1F40, $0x38;
	[tilespmem:$0x17FC0] =	vst v63  }
0x35: {  	_ =	swait.ge [sflag:s16], $0x1F40  }
0x36: {  	[sflag:s16] =	ssyncset.done $0x0  }
0x37: {  	[sflag:s16] =	ssyncadd.s32 $0xFFFFE0C0  }
0x38: {  	[spmem:s10] =	stream.linear.scatter [tilespmem:s19], [sflag:$0x3], $0x1F40, $0x38;
	[tilespmem:$0x17FC0] =	vst v63  }
0x39: {  	_ =	swait.ge [sflag:s16], $0x1F40  }
0x3a: {  	[sflag:s16] =	ssyncset.done $0x0  }
0x3b: {  	[sflag:s16] =	ssyncadd.s32 $0xFFFFE0C0  }
0x3c: {  	[spmem:s11] =	stream.linear.scatter [tilespmem:s19], [sflag:$0x3], $0x1F40, $0x38;
	[tilespmem:$0x17FC0] =	vst v63  }
0x3d: {  	_ =	swait.ge [sflag:s16], $0x1F40  }
0x3e: {  	[sflag:s16] =	ssyncset.done $0x0  }
0x3f: {  	[sflag:s16] =	ssyncadd.s32 $0xFFFFE0C0  }
0x40: {  	[spmem:s12] =	stream.linear.scatter [tilespmem:s19], [sflag:$0x3], $0x1F40, $0x38;
	[tilespmem:$0x17FC0] =	vst v63  }
0x41: {  	_ =	swait.ge [sflag:s16], $0x1F40  }
0x42: {  	[sflag:s16] =	ssyncset.done $0x0  }
0x43: {  	[sflag:s16] =	ssyncadd.s32 $0xFFFFE0C0  }
0x44: {  	[bflag:$0x0] =	sbarrier.arrive $0xFFFF  }
0x45: {  	[tilespmem:s21], [sflag:$0x1] =	stream.indirect.gather [hbm4b:s5+s20], $0x40, s17, s20, $0xb8;
	[tilespmem:$0x17FC0] =	vst v63  }
0x46: {  	s30 =	simm.s32 $0x0;
	s31 =	simm.s32 $0x0  }
0x47: {  	[tilespmem:s23], [sflag:$0x2] =	stream.indirect.gather [hbm4b:s5+s20], $0x40, s22, s20, $0xb8;
	[tilespmem:$0x17FC0] =	vst v63  }
.LBB2_6:
0x48: {  	_ =	swait.ge [sflag:s24], $0x1400  }
0x49: {  	[sflag:s24] =	ssyncset.done $0x0  }
0x4a: {  	s1 =	sshra.s32 s31, $0x2;
	[sflag:s24] =	ssyncadd.s32 $0xFFFFEC00  }
0x4b: {  	[spmem:s3] =	stream.indirect.scatter.add.bf16 [tilespmem:s21], [sflag:$0x3], $0x40, s1, s20, $0xb8;
	[tilespmem:$0x17FC0] =	vst v63  }
0x4c: {  	_ =	swait.ge [sflag:s16], $0x1400  }
0x4d: {  	[sflag:s16] =	ssyncset.done $0x0  }
0x4e: {  	s2 =	sadd.s32 $0x27B0, s1;
	[sflag:s16] =	ssyncadd.s32 $0xFFFFEC00  }
0x4f: {  	[tilespmem:s21], [sflag:$0x1] =	stream.indirect.gather [hbm4b:s5+s20], $0x40, s2, s20, $0xb8;
	[tilespmem:$0x17FC0] =	vst v63  }
0x50: {  	v2 =	vld [tilespmem:s1+$0x2710];
	_ =	sdelay $0x4  }
0x51: {  	v3 =	vld [tilespmem:s1+$0x0];
	_ =	sdelay $0x2  }
0x52: {  	v2 =	vld.idx.msk [tilespmem:v2+s18+$0x0], $0xffff;
	_ =	sdelay $0x4  }
0x53: {  	[tilespmem:v3+s25+$0x0] =	vst.idx.add.f32.msk $0xffff, v2  }
0x54: {  	v2 =	vld [tilespmem:s1+$0x2720];
	_ =	sdelay $0x4  }
0x55: {  	v3 =	vld [tilespmem:s1+$0x10];
	_ =	sdelay $0x2  }
0x56: {  	v2 =	vld.idx.msk [tilespmem:v2+s18+$0x0], $0xffff;
	_ =	sdelay $0x4  }
0x57: {  	[tilespmem:v3+s25+$0x0] =	vst.idx.add.f32.msk $0xffff, v2  }
0x58: {  	v2 =	vld [tilespmem:s1+$0x2730];
	_ =	sdelay $0x4  }
0x59: {  	v3 =	vld [tilespmem:s1+$0x20];
	_ =	sdelay $0x2  }
0x5a: {  	v2 =	vld.idx.msk [tilespmem:v2+s18+$0x0], $0xffff;
	_ =	sdelay $0x4  }
0x5b: {  	[tilespmem:v3+s25+$0x0] =	vst.idx.add.f32.msk $0xffff, v2  }
0x5c: {  	v2 =	vld [tilespmem:s1+$0x2740];
	_ =	sdelay $0x4  }
0x5d: {  	v3 =	vld [tilespmem:s1+$0x30];
	_ =	sdelay $0x2  }
0x5e: {  	v2 =	vld.idx.msk [tilespmem:v2+s18+$0x0], $0xffff;
	_ =	sdelay $0x4  }
0x5f: {  	[tilespmem:v3+s25+$0x0] =	vst.idx.add.f32.msk $0xffff, v2  }
0x60: {  	v2 =	vld [tilespmem:s1+$0x2750];
	_ =	sdelay $0x4  }
0x61: {  	v3 =	vld [tilespmem:s1+$0x40];
	_ =	sdelay $0x2  }
0x62: {  	v2 =	vld.idx.msk [tilespmem:v2+s18+$0x0], $0xffff;
	_ =	sdelay $0x4  }
0x63: {  	[tilespmem:v3+s25+$0x0] =	vst.idx.add.f32.msk $0xffff, v2  }
0x64: {  	p0 =	slt.s32 s30, $0x79;
	s2 =	smov.u32 s30;
	_ =	swait.ge [sflag:s26], $0x1400  }
0x65: {  	s2 =	simm.s32 @!p0 $0x79;
	[sflag:s26] =	ssyncset.done $0x0  }
0x66: {  	s0 =	sadd.s32 $0x50, s1;
	s2 =	smul.u32 $0x140, s2;
	[sflag:s26] =	ssyncadd.s32 $0xFFFFEC00  }
0x67: {  	[spmem:s3] =	stream.indirect.scatter.add.bf16 [tilespmem:s23], [sflag:$0x3], $0x40, s0, s20, $0xb8;
	[tilespmem:$0x17FC0] =	vst v63  }
0x68: {  	_ =	swait.ge [sflag:s16], $0x1400  }
0x69: {  	s0 =	sshra.s32 s2, $0x2;
	[sflag:s16] =	ssyncset.done $0x0  }
0x6a: {  	s0 =	sadd.s32 $0x2800, s0;
	[sflag:s16] =	ssyncadd.s32 $0xFFFFEC00  }
0x6b: {  	[tilespmem:s23], [sflag:$0x2] =	stream.indirect.gather [hbm4b:s5+s20], $0x40, s0, s20, $0xb8;
	[tilespmem:$0x17FC0] =	vst v63  }
0x6c: {  	v2 =	vld [tilespmem:s1+$0x2760];
	_ =	sdelay $0x4  }
0x6d: {  	v3 =	vld [tilespmem:s1+$0x50];
	_ =	sdelay $0x2  }
0x6e: {  	v2 =	vld.idx.msk [tilespmem:v2+s18+$0x0], $0xffff;
	_ =	sdelay $0x4  }
0x6f: {  	[tilespmem:v3+s25+$0x0] =	vst.idx.add.f32.msk $0xffff, v2  }
0x70: {  	v2 =	vld [tilespmem:s1+$0x2770];
	_ =	sdelay $0x4  }
0x71: {  	v3 =	vld [tilespmem:s1+$0x60];
	_ =	sdelay $0x2  }
0x72: {  	v2 =	vld.idx.msk [tilespmem:v2+s18+$0x0], $0xffff;
	_ =	sdelay $0x4  }
0x73: {  	[tilespmem:v3+s25+$0x0] =	vst.idx.add.f32.msk $0xffff, v2  }
0x74: {  	v2 =	vld [tilespmem:s1+$0x2780];
	_ =	sdelay $0x4  }
0x75: {  	v3 =	vld [tilespmem:s1+$0x70];
	_ =	sdelay $0x2  }
0x76: {  	v2 =	vld.idx.msk [tilespmem:v2+s18+$0x0], $0xffff;
	_ =	sdelay $0x4  }
0x77: {  	[tilespmem:v3+s25+$0x0] =	vst.idx.add.f32.msk $0xffff, v2  }
0x78: {  	v2 =	vld [tilespmem:s1+$0x2790];
	_ =	sdelay $0x4  }
0x79: {  	v3 =	vld [tilespmem:s1+$0x80];
	_ =	sdelay $0x2  }
0x7a: {  	v2 =	vld.idx.msk [tilespmem:v2+s18+$0x0], $0xffff;
	_ =	sdelay $0x4  }
0x7b: {  	[tilespmem:v3+s25+$0x0] =	vst.idx.add.f32.msk $0xffff, v2  }
0x7c: {  	v2 =	vld [tilespmem:s1+$0x27A0];
	_ =	sdelay $0x4  }
0x7d: {  	v3 =	vld [tilespmem:s1+$0x90];
	_ =	sdelay $0x2  }
0x7e: {  	p0 =	sne.s32 s31, $0x9880;
	v2 =	vld.idx.msk [tilespmem:v2+s18+$0x0], $0xffff  }
.Ltmp2:
0x7f: {  	_ = 	snop;
	(pc) =	sbr.rel @p0 .LBB2_6-.Ltmp2, $2  }
0x80: {  	_ =	sdelay $0x2  }
0x81: {  	s30 =	sadd.s32 $0x2, s30;
	s31 =	sadd.s32 $0x280, s31;
	[tilespmem:v3+s25+$0x0] =	vst.idx.add.f32.msk $0xffff, v2  }
0x82: {  	_ =	swait.ge [sflag:s24], $0x1400  }
0x83: {  	[sflag:s24] =	ssyncset.done $0x0  }
0x84: {  	[sflag:s24] =	ssyncadd.s32 $0xFFFFEC00  }
0x85: {  	[spmem:s3] =	stream.indirect.scatter.add.bf16 [tilespmem:s21], [sflag:$0x3], $0x40, s28, s20, $0xb8;
	[tilespmem:$0x17FC0] =	vst v63  }
0x86: {  	_ =	swait.ge [sflag:s16], $0x1400  }
0x87: {  	[sflag:s16] =	ssyncset.done $0x0  }
0x88: {  	[sflag:s16] =	ssyncadd.s32 $0xFFFFEC00  }
0x89: {  	v2 =	vld [tilespmem:$0x4DD0];
	_ =	sdelay $0x4  }
0x8a: {  	v3 =	vld [tilespmem:$0x26C0];
	_ =	sdelay $0x2  }
0x8b: {  	v2 =	vld.idx.msk [tilespmem:v2+s18+$0x0], $0xffff;
	_ =	sdelay $0x4  }
0x8c: {  	[tilespmem:v3+s25+$0x0] =	vst.idx.add.f32.msk $0xffff, v2  }
0x8d: {  	v2 =	vld [tilespmem:$0x4DE0];
	_ =	sdelay $0x4  }
0x8e: {  	v3 =	vld [tilespmem:$0x26D0];
	_ =	sdelay $0x2  }
0x8f: {  	v2 =	vld.idx.msk [tilespmem:v2+s18+$0x0], $0xffff;
	_ =	sdelay $0x4  }
0x90: {  	[tilespmem:v3+s25+$0x0] =	vst.idx.add.f32.msk $0xffff, v2  }
0x91: {  	v2 =	vld [tilespmem:$0x4DF0];
	_ =	sdelay $0x4  }
0x92: {  	v3 =	vld [tilespmem:$0x26E0];
	_ =	sdelay $0x2  }
0x93: {  	v2 =	vld.idx.msk [tilespmem:v2+s18+$0x0], $0xffff;
	_ =	sdelay $0x4  }
0x94: {  	[tilespmem:v3+s25+$0x0] =	vst.idx.add.f32.msk $0xffff, v2  }
0x95: {  	v2 =	vld [tilespmem:$0x4E00];
	_ =	sdelay $0x4  }
0x96: {  	v3 =	vld [tilespmem:$0x26F0];
	_ =	sdelay $0x2  }
0x97: {  	v2 =	vld.idx.msk [tilespmem:v2+s18+$0x0], $0xffff;
	_ =	sdelay $0x4  }
0x98: {  	[tilespmem:v3+s25+$0x0] =	vst.idx.add.f32.msk $0xffff, v2  }
0x99: {  	v2 =	vld [tilespmem:$0x4E10];
	_ =	sdelay $0x4  }
0x9a: {  	v3 =	vld [tilespmem:$0x2700];
	_ =	sdelay $0x2  }
0x9b: {  	v2 =	vld.idx.msk [tilespmem:v2+s18+$0x0], $0xffff;
	_ =	sdelay $0x4  }
0x9c: {  	[tilespmem:v3+s25+$0x0] =	vst.idx.add.f32.msk $0xffff, v2  }
0x9d: {  	_ =	swait.ge [sflag:s26], $0x1400  }
0x9e: {  	[sflag:s26] =	ssyncset.done $0x0  }
0x9f: {  	[sflag:s26] =	ssyncadd.s32 $0xFFFFEC00  }
0xa0: {  	[hbm4b:s13+s4] =	stream.linear.scatter [tilespmem:s25], [sflag:$0x3], $0x2710, $0x38;
	[tilespmem:$0x17FC0] =	vst v63  }
0xa1: {  	s0 =	stileid.u32;
	_ =	swait.ge [sflag:s16], $0x2710  }
0xa2: {  	s1 =	sshrl.u32 s8, $0x3;
	s29 =	sadd.s32 $0x1, s29;
	[sflag:s16] =	ssyncset.done $0x0  }
0xa3: {  	s0 =	sshll.u32 s0, $0x6;
	p0 =	sne.s32 s29, s15;
	[sflag:s16] =	ssyncadd.s32 $0xFFFFD8F0  }
.Ltmp3:
0xa4: {  	s0 =	sor.u32 $0x1C03, s0;
	[bflag:$0x0] =	sbarrier.arrive $0xFFFF;
	(pc) =	sbr.rel @p0 .LBB2_1-.Ltmp3, $4  }
0xa5: {  	[hbm:s14], [sflag:s0] =	dma.local [spmem:s1], $0x1388  }
0xa6: {  	_ =	swait.ge [sflag:s16], $0x1388  }
0xa7: {  	[sflag:s16] =	ssyncset.done $0x0  }
0xa8: {  	[sflag:s16] =	ssyncadd.s32 $0xFFFFEC78  }
0xa9: {  	_ =	sfence.sel $0x180000  }
0xaa: {  	[bflag:$0x0] =	sbarrier.arrive $0xFFFF  }
0xab: {  	_ =	strace $0x9000004D  }
0xac: {  	s0 =	stileid.u32;
	[bflag:$0x2] =	sbarrier.arrive $0xFFFF  }
0xad: {  	p0 =	sne.s32 s0, $0x0;
	s0 =	rddreg [dreg:$0x3]  }
0xae: {  	s0 =	sadd.s32 @!p0 $0x100000, s0  }
0xaf: {  	[sflag:s0] =	ssyncadd.tile.s32 @!p0 $0x1;
	_ =	shalt  }
.Lfunc_end2:
_tile_overlayer_lowered:
.L_overlay_start_2:
0xb0: {  	(tag) =	ssettag $0x2  }
0xb1: {  	s0 =	rddreg [dreg:$0x0];
	s2 =	stileid.u32  }
0xb2: {  	s1 =	rddreg [dreg:$0x1];
	p0 =	sne.s32 s2, $0x0  }
0xb3: {  	s3 =	rddreg [dreg:$0x2];
	[bflag:$0x3] =	sbarrier.arrive $0xFFFF;
	s2 =	simm.s32 @!p0 $0x1C03  }
0xb4: {  	[timem:s3], [sflag:s2] =	dma.local @!p0 [hbm:s0], s1  }
0xb5: {  	s0 =	simm.s32 @!p0 $0x3  }
0xb6: {  	_ =	swait.ge @!p0 [sflag:s0], s1  }
0xb7: {  	s1 =	ssub.s32 @!p0 $0x0, s1;
	[sflag:s0] =	ssyncset.done @!p0 $0x0  }
0xb8: {  	[sflag:s0] =	ssyncadd.s32 @!p0 s1  }
0xb9: {  	[bflag:$0x3] =	sbarrier.arrive $0xFFFF  }
0xba: {  	_ =	shalt  }

// kernel: kernel.9.cloned.1.call-start
scs
__scs_entry_jumppad:
0x0: {  	(pc) =	sbr.rel $0x88, $3  }
0x1: {  	(tag) =	ssettag $0x0;
	lr =	simm.s32 $0x1  }
0x2: {  	[smem:$0x3F9D] =	sst lr;
	_ =	strace $0xD0000000  }
0x3: {  	_ = 	snop  }
0x4: {  	_ = 	snop  }
0x5: {  	_ = 	snop  }
0x6: {  	_ = 	snop  }
0x7: {  	_ = 	snop  }
__scs_overlays_trampoline_lowered:
0x8: {  	[smem:$0x3FAC] =	sst s0  }
0x9: {  	[smem:$0x3FAD] =	sst s1  }
0xa: {  	[smem:$0x3FAE] =	sst s2  }
0xb: {  	[smem:$0x3FAF] =	sst s3  }
0xc: {  	[smem:$0x3FB0] =	sst s4  }
0xd: {  	[smem:$0x3FB1] =	sst s5  }
0xe: {  	[smem:$0x3FB2] =	sst s6  }
0xf: {  	[smem:$0x3FB3] =	sst s7  }
0x10: {  	[smem:$0x3FB4] =	sst s8  }
0x11: {  	[smem:$0x3FB5] =	sst s9;
	s0 =	simm.s32 @!p0 $0x0  }
0x12: {  	s1 =	sld [smem:$0x3F9B];
	s0 =	simm.s32 @p0 $0x1  }
0x13: {  	[smem:$0x3FB6] =	sst s0;
	s0 =	simm.s32 @!p1 $0x0  }
0x14: {  	s2 =	sld [smem:$0x3F9A];
	s0 =	simm.s32 @p1 $0x1  }
0x15: {  	[smem:$0x3FB7] =	sst s0;
	s0 =	simm.s32 @!p2 $0x0  }
0x16: {  	s3 =	sld [smem:$0x3FDB];
	s0 =	simm.s32 @p2 $0x1  }
0x17: {  	s4 =	simm.s32 $0x1BF5;
	[smem:$0x3FB9] =	sst s0  }
0x18: {  	s0 =	sld [smem:$0x3F9C];
	_ =	swait.ge [sflag:s4], $0x0  }
0x19: {  	s7 =	sld [smem:$0x3F9D]  }
0x1a: {  	s8 =	sadd.s32 $0xFFFFE003, lr  }
0x1b: {  	s9 =	sadd.s32 $0xFFFFFEF7, lr;
	s5 =	simm.s32 $0xFFFFFFFF;
	p2 =	slt.u32 s8, $0xFFFFF086  }
0x1c: {  	p1 =	slt.u32 s9, $0xF7A;
	s5 =	simm.s32 @!p2 $0x0  }
0x1d: {  	s5 =	simm.s32 @p1 $0x1;
	p0 =	seq.s32 s7, s2  }
0x1e: {  	s7 =	smul.u32 @!p0 $0xF7A, s2;
	p2 =	seq.s32 @!p0 s5, $0x0  }
0x1f: {  	s9 =	smul.u32 $0xF7A, s1;
	s8 =	simm.s32 @!p0 $0x1BF5;
	p2 =	por !p2, p0  }
0x20: {  	[sflag:s8] =	ssyncset.s32 @!p0 $0xFFFFF086;
	s6 =	sadd.s32 @!p0 s3, s7;
	s7 =	simm.s32 @!p0 $0x108  }
0x21: {  	s3 =	sadd.s32 s3, s9;
	s6 =	sadd.s32 @!p0 $0x88, s6;
	s7 =	simm.s32 @p2 $0x1082  }
0x22: {  	[simem:s7], [sflag:s8] =	dma.local @!p0 [hbm:s6], $0xF7A  }
0x23: {  	s9 =	sor.u32 $0xD0000000, s2;
	s6 =	simm.s32 $0x108;
	_ =	swait.ge @!p0 [sflag:s8], $0x0  }
0x24: {  	s3 =	sadd.s32 $0x88, s3;
	s6 =	simm.s32 @!p1 $0x1082;
	[sflag:s4] =	ssyncset.s32 $0xFFFFF086  }
0x25: {  	[simem:s6], [sflag:s4] =	dma.local [hbm:s3], $0xF7A  }
0x26: {  	[smem:$0x3F9D] =	sst s1;
	(tag) =	ssettag s2;
	_ =	strace s9  }
0x27: {  	s1 =	sld [smem:$0x3FAD]  }
0x28: {  	s2 =	sld [smem:$0x3FAE]  }
0x29: {  	s4 =	sld [smem:$0x3FB0]  }
0x2a: {  	p0 =	seq.s32 s5, $0x0;
	s5 =	sld [smem:$0x3FB1]  }
0x2b: {  	s6 =	sld [smem:$0x3FB2]  }
0x2c: {  	s7 =	sld [smem:$0x3FB3]  }
0x2d: {  	s3 =	simm.s32 $0x108;
	s8 =	sld [smem:$0x3FB4]  }
0x2e: {  	s3 =	simm.s32 @!p0 $0x1082;
	s9 =	sld [smem:$0x3FB5]  }
0x2f: {  	lr =	sadd.s32 s0, s3;
	s0 =	sld [smem:$0x3FAC]  }
0x30: {  	s3 =	sld [smem:$0x3FAF]  }
0x31: {  	[smem:$0x3FB8] =	sst s10  }
0x32: {  	s10 =	sld [smem:$0x3FB6];
	_ =	sdelay $0x3  }
0x33: {  	p0 =	seq.s32 s10, $0x1;
	s10 =	sld [smem:$0x3FB8];
	_ =	sdelay $0x3  }
0x34: {  	[smem:$0x3FB8] =	sst s10  }
0x35: {  	s10 =	sld [smem:$0x3FB7];
	_ =	sdelay $0x3  }
0x36: {  	p1 =	seq.s32 s10, $0x1;
	s10 =	sld [smem:$0x3FB8];
	_ =	sdelay $0x3  }
0x37: {  	[smem:$0x3FB8] =	sst s10  }
0x38: {  	s10 =	sld [smem:$0x3FB9]  }
0x39: {  	_ = 	snop;
	(pc) =	sbr.ind lr, $3  }
0x3a: {  	_ = 	snop  }
0x3b: {  	_ = 	snop  }
0x3c: {  	p2 =	seq.s32 s10, $0x1;
	s10 =	sld [smem:$0x3FB8]  }
0x3d: {  	_ =	shalt  }
0x3e: {  	_ =	shalt  }
0x3f: {  	_ =	shalt  }
0x40: {  	_ =	shalt  }
0x41: {  	_ =	shalt  }
0x42: {  	_ =	shalt  }
0x43: {  	_ =	shalt  }
0x44: {  	_ =	shalt  }
0x45: {  	_ =	shalt  }
0x46: {  	_ =	shalt  }
0x47: {  	_ =	shalt  }
0x48: {  	_ =	shalt  }
0x49: {  	_ =	shalt  }
0x4a: {  	_ =	shalt  }
0x4b: {  	_ =	shalt  }
0x4c: {  	_ =	shalt  }
0x4d: {  	_ =	shalt  }
0x4e: {  	_ =	shalt  }
0x4f: {  	_ =	shalt  }
0x50: {  	_ =	shalt  }
0x51: {  	_ =	shalt  }
0x52: {  	_ =	shalt  }
0x53: {  	_ =	shalt  }
0x54: {  	_ =	shalt  }
0x55: {  	_ =	shalt  }
0x56: {  	_ =	shalt  }
0x57: {  	_ =	shalt  }
0x58: {  	_ =	shalt  }
0x59: {  	_ =	shalt  }
0x5a: {  	_ =	shalt  }
0x5b: {  	_ =	shalt  }
0x5c: {  	_ =	shalt  }
0x5d: {  	_ =	shalt  }
0x5e: {  	_ =	shalt  }
0x5f: {  	_ =	shalt  }
0x60: {  	_ =	shalt  }
0x61: {  	_ =	shalt  }
0x62: {  	_ =	shalt  }
0x63: {  	_ =	shalt  }
0x64: {  	_ =	shalt  }
0x65: {  	_ =	shalt  }
0x66: {  	_ =	shalt  }
0x67: {  	_ =	shalt  }
0x68: {  	_ =	shalt  }
0x69: {  	_ =	shalt  }
0x6a: {  	_ =	shalt  }
0x6b: {  	_ =	shalt  }
0x6c: {  	_ =	shalt  }
0x6d: {  	_ =	shalt  }
0x6e: {  	_ =	shalt  }
0x6f: {  	_ =	shalt  }
0x70: {  	_ =	shalt  }
0x71: {  	_ =	shalt  }
0x72: {  	_ =	shalt  }
0x73: {  	_ =	shalt  }
0x74: {  	_ =	shalt  }
0x75: {  	_ =	shalt  }
0x76: {  	_ =	shalt  }
0x77: {  	_ =	shalt  }
0x78: {  	_ =	shalt  }
0x79: {  	_ =	shalt  }
0x7a: {  	_ =	shalt  }
0x7b: {  	_ =	shalt  }
0x7c: {  	_ =	shalt  }
0x7d: {  	_ =	shalt  }
0x7e: {  	_ =	shalt  }
0x7f: {  	_ =	shalt  }
0x80: {  	_ =	shalt  }
0x81: {  	_ =	shalt  }
0x82: {  	_ =	shalt  }
0x83: {  	_ =	shalt  }
0x84: {  	_ =	shalt  }
0x85: {  	_ =	shalt  }
0x86: {  	_ =	shalt  }
0x87: {  	_ =	shalt  }
.Lfunc_end0:
.L_simem_size_0:
called_computation_lowered:
.L_overlay_start_0:
0x88: {  	s2 =	sld [smem:$0x3FD9]  }
0x89: {  	s3 =	sld [smem:$0x3FFE];
	_ =	sdelay $0x1  }
0x8a: {  	s1 =	srdreg.scid  }
0x8b: {  	s0 =	sand.u32 $0x1, s1  }
0x8c: {  	s16 =	sshll.u32 s0, $0xA;
	s2 =	sadd.s32 s3, s2  }
0x8d: {  	s2 =	sadd.s32 s2, s16  }
0x8e: {  	[smem:$0x3FC4] =	sst s2  }
0x8f: {  	_ = 	snop  }
0x90: {  	(tm) =	ssettm $0x1  }
0x91: {  	s17 =	sld [smem:$0x3FFB];
	_ =	sdelay $0x3  }
0x92: {  	_ =	strace s17  }
0x93: {  	s2 =	sld [smem:$0x3FFC];
	_ =	sdelay $0x3  }
0x94: {  	_ =	strace s2  }
0x95: {  	s2 =	sld [smem:$0x3FFD];
	_ =	sdelay $0x3  }
0x96: {  	_ =	strace s2  }
0x97: {  	_ =	strace $0x8FFFFFFF  }
0x98: {  	s18 =	sld [smem:$0x3FDB];
	_ =	sdelay $0x1  }
0x99: {  	s19 =	simm.s32 $_scs_section_size  }
0x9a: {  	s4 =	simm.s32 $_size__tile_overlayer_lowered;
	s5 =	simm.s32 $_tile_overlayer_lowered  }
0x9b: {  	s22 =	simm.s32 $0x1BFF;
	s21 =	sshll.u32 s5, $0x1;
	s2 =	sadd.s32 s19, s18  }
0x9c: {  	s6 =	simm.s32 $0x0;
	s20 =	sshll.u32 s4, $0x1;
	s4 =	sadd.s32 s21, s2  }
0x9d: {  	[timem:s6], [sflag:s22] =	dma.local [hbm:s4], s20  }
0x9e: {  	_ =	swait.ge [sflag:s22], s20  }
0x9f: {  	s3 =	ssub.s32 $0x0, s20;
	[sflag:s22] =	ssyncset.done $0x0  }
0xa0: {  	[sflag:s22] =	ssyncadd.s32 s3;
	_ =	sdelay $0x1  }
0xa1: {  	s23 =	simm.s32 $0x1B8B  }
0xa2: {  	_ =	swait.ge [sflag:s23], $0x1  }
0xa3: {  	[sflag:s23] =	ssyncset.done $0x0  }
0xa4: {  	s25 =	simm.s32 $0x1B8E;
	s24 =	sld [smem:$0x3FFE];
	[sflag:s23] =	ssyncadd.s32 $0xFFFFFFFF  }
0xa5: {  	s26 =	simm.s32 $execute0_lowered;
	[smem:$0x3FD2] =	sst s25  }
0xa6: {  	s4 =	sshll.u32 s26, $0x1;
	_ =	strace $0x80000046;
	[dreg:$0x1] =	wrdreg $0xFFFFFFFF  }
0xa7: {  	s28 =	simm.s32 $_size_execute0_lowered;
	s2 =	sadd.s32 s2, s4;
	[dreg:$0x0] =	wrdreg $0x0  }
0xa8: {  	s4 =	sshll.u32 s28, $0x1;
	[dreg:$0x2] =	wrdreg s2  }
0xa9: {  	[dreg:$0x3] =	wrdreg s4  }
0xaa: {  	[dreg:$0x4] =	wrdreg $0xC0  }
0xab: {  	_ =	task [dreg:s6], $0x5FFFF  }
0xac: {  	[dreg:$0x1] =	wrdreg $0xFFFFFFFF  }
0xad: {  	[dreg:$0x0] =	wrdreg $0x60  }
0xae: {  	[dreg:$0x2] =	wrdreg s24  }
0xaf: {  	[dreg:$0x3] =	wrdreg $0x9  }
0xb0: {  	_ =	task.clear_ibuf [dreg:s6], $0x4FFFF;
	_ =	strace $0x90000046  }
0xb1: {  	s29 =	simm.s32 $0x9;
	_ =	strace $0x80000048  }
0xb2: {  	_ =	swait.ge [sflag:s29], $0x1  }
0xb3: {  	[sflag:s29] =	ssyncadd.s32 $0xFFFFFFFF  }
0xb4: {  	_ =	strace $0x90000048  }
0xb5: {  	_ =	sfence  }
0xb6: {  	s30 =	sld [smem:$0x0];
	_ =	sdelay $0x2  }
0xb7: {  	s31 =	sshll.u32 s1, $0xD;
	s1 =	sshrl.u32 s1, $0x2  }
0xb8: {  	s3 =	sand.u32 $0x4000, s31;
	s1 =	sadd.s32 s1, s30  }
0xb9: {  	s0 =	sor.u32 s3, s0;
	s1 =	sshll.u32 s1, $0x11  }
0xba: {  	s0 =	sor.u32 s1, s0  }
0xbb: {  	s0 =	sadd.s32 $0x8F2B, s0  }
0xbc: {  	[sflag:s0] =	ssyncadd.remote.s32 $0x1  }
0xbd: {  	_ =	sfence.sel $0xFFFF  }
0xbe: {  	[dreg:$0x0] =	wrdreg $0xFFFFFFFF;
	(pc) =	sbr.abs _section_cstart, $3  }
0xbf: {  	[dreg:$0x1] =	wrdreg $0xFFFFFFFF  }
0xc0: {  	_ =	task.clear_ibuf [dreg:s6], $0x2FFFF;
	_ =	strace $0x9FFFFFFF  }
0xc1: {  	(tm) =	ssettm $0x7FFFFFFF  }
tec
execute0_lowered:
.L_overlay_start_1:
0x0: {  	(tag) =	ssettag $0x1  }
0x1: {  	s0 =	srdreg.scid  }
0x2: {  	s4 =	rddreg [dreg:$0x0];
	s3 =	sand.u32 $0x1, s0  }
0x3: {  	s1 =	stileid.u32;
	s7 =	simm.s32 $0x2710;
	s2 =	sshll.u32 s3, $0x4  }
0x4: {  	s0 =	rddreg [dreg:$0x1];
	s3 =	ssub.s32 $0x2, s3;
	s5 =	sor.u32 s1, s2  }
0x5: {  	s2 =	simm.s32 $0x0;
	s6 =	sshrl.u32 s3, $0x1;
	s5 =	smul.u32 $0x4E2, s5  }
0x6: {  	s8 =	simm.s32 $0x0;
	[smem:$0x7FF] =	sst s2;
	s31 =	ssub.s32 s3, s6  }
0x7: {  	s6 =	simm.s32 $0x1;
	_ =	strace $0x80000047;
	s4 =	sadd.s32 s5, s4  }
0x8: {  	v0 =	vimm.f32 $0.0e+00;
	v1 =	vimm.f32 $1.000000000e+00;
	s5 =	smax.u32 s31, $0x1;
	s3 =	sadd.s32 $0xBC00, s4;
	s4 =	sadd.s32 $0x15A00, s4  }
.LBB2_1:
0x9: {  	[tilespmem:s2], [sflag:$0x1] =	stream.linear.gather [hbm4b:s3+s2], $0x2710, $0x38;
	[tilespmem:$0x4E20] =	vst v63  }
0xa: {  	_ =	swait.ge [sflag:s6], $0x2710  }
0xb: {  	[sflag:s6] =	ssyncset.done $0x0  }
0xc: {  	s9 =	simm.s32 $0x0;
	[sflag:s6] =	ssyncadd.s32 $0xFFFFD8F0  }
.LBB2_2:
0xd: {  	p0 =	sne.s32 s9, $0x9C00  }
.Ltmp0:
0xe: {  	_ = 	snop;
	(pc) =	sbr.rel @p0 .LBB2_2-.Ltmp0, $3  }
0xf: {  	_ =	sdelay $0x1  }
0x10: {  	s10 =	sshra.s32 s9, $0x2  }
0x11: {  	s9 =	sadd.s32 $0x40, s9;
	[tilespmem:s10+$0x2710] =	vst v0  }
0x12: {  	s10 =	simm.s32 $0x0;
	s9 =	simm.s32 $0x40  }
.LBB2_4:
0x13: {  	p0 =	sne.s32 s9, $0x9C00;
	v2 =	vld [tilespmem:s10+$0x0];
	_ =	sdelay $0x3  }
.Ltmp1:
0x14: {  	(pc) =	sbr.rel @p0 .LBB2_4-.Ltmp1, $2  }
0x15: {  	_ =	sdelay $0x2  }
0x16: {  	s10 =	sshra.s32 s9, $0x2;
	s9 =	sadd.s32 $0x40, s9;
	[tilespmem:v2+s7+$0x0] =	vst.idx.add.f32.msk $0xffff, v1  }
0x17: {  	v2 =	vld [tilespmem:s10+$0x0];
	_ =	sdelay $0x5  }
0x18: {  	s8 =	sadd.s32 $0x1, s8  }
0x19: {  	p0 =	sne.s32 s8, s5  }
.Ltmp2:
0x1a: {  	[tilespmem:v2+s7+$0x0] =	vst.idx.add.f32.msk $0xffff, v1;
	(pc) =	sbr.rel @p0 .LBB2_1-.Ltmp2, $4  }
0x1b: {  	[hbm4b:s4+s2] =	stream.linear.scatter [tilespmem:s7], [sflag:$0x1], $0x2710, $0x38;
	[tilespmem:$0x4E20] =	vst v63  }
0x1c: {  	_ =	swait.ge [sflag:s6], $0x2710  }
0x1d: {  	[sflag:s6] =	ssyncset.done $0x0  }
0x1e: {  	[sflag:s6] =	ssyncadd.s32 $0xFFFFD8F0  }
0x1f: {  	_ =	sfence.sel $0x180000  }
0x20: {  	[bflag:$0x0] =	sbarrier.arrive $0xFFFF  }
0x21: {  	p0 =	sne.s32 s1, $0x0;
	_ =	strace $0x90000047  }
0x22: {  	s0 =	sadd.s32 @!p0 $0x100000, s0;
	[bflag:$0x2] =	sbarrier.arrive $0xFFFF  }
0x23: {  	[sflag:s0] =	ssyncadd.tile.s32 @!p0 $0x1;
	_ =	shalt  }
.Lfunc_end2:
_tile_overlayer_lowered:
.L_overlay_start_2:
0x24: {  	(tag) =	ssettag $0x2  }
0x25: {  	s0 =	rddreg [dreg:$0x0];
	s2 =	stileid.u32  }
0x26: {  	s1 =	rddreg [dreg:$0x1];
	p0 =	sne.s32 s2, $0x0  }
0x27: {  	s3 =	rddreg [dreg:$0x2];
	[bflag:$0x3] =	sbarrier.arrive $0xFFFF;
	s2 =	simm.s32 @!p0 $0x1C01  }
0x28: {  	[timem:s3], [sflag:s2] =	dma.local @!p0 [hbm:s0], s1  }
0x29: {  	s0 =	simm.s32 @!p0 $0x1  }
0x2a: {  	_ =	swait.ge @!p0 [sflag:s0], s1  }
0x2b: {  	s1 =	ssub.s32 @!p0 $0x0, s1;
	[sflag:s0] =	ssyncset.done @!p0 $0x0  }
0x2c: {  	[sflag:s0] =	ssyncadd.s32 @!p0 s1  }
0x2d: {  	[bflag:$0x3] =	sbarrier.arrive $0xFFFF  }
0x2e: {  	_ =	shalt  }

</sc_bundles>
